<compile_context>
chip_gen: v7x
topology: tpu7x:2x2x1
jax: 0.10.2.dev20260603
libtpu: 0.0.44.dev20260713+nightly
codegen_flags: <defaults>
</compile_context>

<pallas_src>
import functools

import jax
import jax.numpy as jnp
from jax import lax
from jax.experimental import pallas as pl
from jax.experimental.pallas import tpu as pltpu
from jax.experimental.pallas import tpu_sc as plsc

N = 10000
E = 320000
D = 128
C = 128

ROW_BLK = 1024
N_PAD = 10240

NC = 2
NS = 16
NW = NC * NS
EPW = E // NW
VPC = 8
NCHUNK = EPW // (16 * VPC)
REM_V = (EPW - NCHUNK * 16 * VPC) // 16


def _err_node_body(h_ref, t_ref, w_ref, b_ref, out_ref):
    y = jnp.dot(h_ref[...], w_ref[...], preferred_element_type=jnp.float32)
    d = y + b_ref[...] - t_ref[...]
    e = jnp.mean(d * d, axis=1)
    out_ref[...] = e.reshape(ROW_BLK // 128, 128)


def _err_node(H, target, W, b):
    grid = (N_PAD // ROW_BLK,)
    return pl.pallas_call(
        _err_node_body,
        grid=grid,
        in_specs=[
            pl.BlockSpec((ROW_BLK, D), lambda g: (g, 0)),
            pl.BlockSpec((ROW_BLK, D), lambda g: (g, 0)),
            pl.BlockSpec((D, D), lambda g: (0, 0)),
            pl.BlockSpec((1, D), lambda g: (0, 0)),
        ],
        out_specs=pl.BlockSpec((ROW_BLK // 128, 128), lambda g: (g, 0)),
        out_shape=jax.ShapeDtypeStruct((N_PAD // 128, 128), jnp.float32),
    )(H, target, W, b.reshape(1, D))


def _sc_scatter_body(src_hbm, dst_hbm, err_hbm, centers_hbm, out_hbm,
                     src_v, dst_v, err_v, sum_v, cnt_v, cen_v, obuf_v, sem_a):
    cid = lax.axis_index("c")
    sid = lax.axis_index("s")
    wid = sid * NC + cid

    in_src = pltpu.async_copy(src_hbm.at[wid], src_v, sem_a)
    in_dst = pltpu.async_copy(dst_hbm.at[wid], dst_v, sem_a)
    in_err = pltpu.async_copy(err_hbm, err_v, sem_a)
    in_cen = pltpu.async_copy(centers_hbm, cen_v, sem_a)

    zero16 = jnp.zeros((16,), jnp.float32)

    def zero_body(i, carry):
        sum_v[pl.ds(i * 16, 16)] = zero16
        cnt_v[pl.ds(i * 16, 16)] = zero16
        return carry

    lax.fori_loop(0, N // 16, zero_body, 0)
    in_src.wait()
    in_dst.wait()
    in_err.wait()
    in_cen.wait()

    def one_vector(base):
        s16 = src_v[pl.ds(base, 16)]
        d16 = dst_v[pl.ds(base, 16)]
        e16 = plsc.load_gather(err_v, [d16])
        cnts, last = plsc.scan_count(s16)
        plsc.addupdate_scatter(cnt_v, [s16], cnts.astype(jnp.float32),
                               mask=last)
        plsc.addupdate_scatter(sum_v, [s16], e16, mask=last)
        return jnp.logical_not(last)

    def extra_rounds(base, leftover):
        s16 = src_v[pl.ds(base, 16)]
        d16 = dst_v[pl.ds(base, 16)]
        e16 = plsc.load_gather(err_v, [d16])

        def w_body(act):
            _, last2 = plsc.scan_count(s16, act)
            plsc.addupdate_scatter(sum_v, [s16], e16, mask=last2)
            return jnp.logical_and(act, jnp.logical_not(last2))

        lax.while_loop(lambda a: jnp.any(a), w_body, leftover)

    def chunk_body(j, nv):
        base = j * (16 * VPC)
        leftover = jnp.zeros((16,), jnp.bool_)
        for k in range(VPC):
            leftover = jnp.logical_or(leftover, one_vector(base + k * 16))

        @pl.when(jnp.any(leftover))
        def _():
            for k in range(VPC):
                extra_rounds(base + k * 16,
                             one_leftover(base + k * 16))
        return nv

    def one_leftover(base):
        s16 = src_v[pl.ds(base, 16)]
        _, last = plsc.scan_count(s16)
        return jnp.logical_not(last)

    lax.fori_loop(0, NCHUNK, chunk_body, 0)

    tail_base = NCHUNK * 16 * VPC
    leftover = jnp.zeros((16,), jnp.bool_)
    for k in range(REM_V):
        leftover = jnp.logical_or(leftover, one_vector(tail_base + k * 16))

    @pl.when(jnp.any(leftover))
    def _():
        for k in range(REM_V):
            extra_rounds(tail_base + k * 16, one_leftover(tail_base + k * 16))

    for k in range(C // 16):
        c16 = cen_v[pl.ds(k * 16, 16)]
        obuf_v[0, pl.ds(k * 16, 16)] = plsc.load_gather(sum_v, [c16])
        obuf_v[1, pl.ds(k * 16, 16)] = plsc.load_gather(cnt_v, [c16])
    pltpu.sync_copy(obuf_v, out_hbm.at[wid])


_sc_scatter = functools.partial(
    pl.kernel,
    _sc_scatter_body,
    out_type=jax.ShapeDtypeStruct((NW, 2, C), jnp.float32),
    mesh=plsc.VectorSubcoreMesh(core_axis_name="c", subcore_axis_name="s"),
    compiler_params=pltpu.CompilerParams(needs_layout_passes=False),
    scratch_types=[
        pltpu.VMEM((EPW,), jnp.int32),
        pltpu.VMEM((EPW,), jnp.int32),
        pltpu.VMEM((N_PAD,), jnp.float32),
        pltpu.VMEM((N,), jnp.float32),
        pltpu.VMEM((N,), jnp.float32),
        pltpu.VMEM((C,), jnp.int32),
        pltpu.VMEM((2, C), jnp.float32),
        pltpu.SemaphoreType.DMA,
    ],
)


def _final_body(p_ref, out_ref):
    p = p_ref[...]
    loss_sum = jnp.sum(p[:, 0, :], axis=0, keepdims=True)
    cnt = jnp.sum(p[:, 1, :], axis=0, keepdims=True)
    aux = jnp.sum(loss_sum / jnp.maximum(cnt, 1.0)) * (1.0 / C)
    pairs = jnp.sum(cnt)
    mpl = jnp.sum(loss_sum) / pairs
    mdeg = jnp.max(cnt)
    lane = lax.broadcasted_iota(jnp.int32, (1, C), 1)
    row = jnp.where(lane == 0, aux,
                    jnp.where(lane == 1, pairs,
                              jnp.where(lane == 2, mpl, mdeg)))
    out_ref[...] = row


def _finalize(partials):
    return pl.pallas_call(
        _final_body,
        out_shape=jax.ShapeDtypeStruct((1, C), jnp.float32),
    )(partials)


def kernel(H, edge_index, centers, target, W, b):
    H = H.astype(jnp.float32)
    target = target.astype(jnp.float32)
    W = W.astype(jnp.float32)
    b = b.astype(jnp.float32)
    edges = edge_index.astype(jnp.int32)
    centers = centers.astype(jnp.int32)

    err2d = _err_node(H, target, W, b)
    err_flat = err2d.reshape(N_PAD)

    src2 = edges[0].reshape(NW, EPW)
    dst2 = edges[1].reshape(NW, EPW)

    partials = _sc_scatter()(src2, dst2, err_flat, centers)
    row = _finalize(partials)

    aux_loss = row[0, 0]
    stats_pairs = row[0, 1]
    mean_pair_loss = row[0, 2]
    max_deg = row[0, 3]
    stats_centers = jnp.asarray(float(C), dtype=jnp.float32)
    return (aux_loss, stats_centers, stats_pairs, mean_pair_loss, max_deg)

# --- scband reference (transcript-rebuilt; emitter-appended) ---
"""Pipeline reference for scband-spatial-mtp1-hop-46420006535686 (READ-ONLY COPY).

The authoritative reference and input builder live on the scoring server;
editing this copy changes nothing except your own understanding.
"""

import jax, jax.numpy as jnp
import numpy as np


def setup_inputs(seed: int = 0) -> dict:
    key = jax.random.key(seed)
    k1, k2, k3, k4, k5 = jax.random.split(key, 5)
    N = 10000
    E = 320000
    D = 128
    C = 128
    H = jax.random.normal(k1, (N, D), dtype=jnp.float32)
    edge_index = jax.random.randint(k2, (2, E), 0, N, dtype=jnp.int32)
    centers = jax.random.randint(k3, (C,), 0, N, dtype=jnp.int32)
    target = jax.random.normal(k4, (N, D), dtype=jnp.float32)
    W = jax.random.normal(k5, (D, D), dtype=jnp.float32) * (1.0 / np.sqrt(D))
    b = jnp.zeros((D,), dtype=jnp.float32)
    return {"H": H, "edge_index": edge_index, "centers": centers, "target": target, "W": W, "b": b}


def reference(H, edge_index, centers, target, W, b):
    # Faithful translation of SpatialMTP1Hop.forward with assume_undirected=True,
    # max_neighbors=None, reduction='mean_per_center'. out_head is a linear head (W, b).
    centers = centers.astype(jnp.int32)
    edges = edge_index.astype(jnp.int32)  # assume_undirected=True: use edges as-is
    src = edges[0]
    dst = edges[1]
    z_frontier = H[dst]
    y_hat = z_frontier @ W + b
    y_true = target[dst]
    err_edge = jnp.mean((y_hat - y_true) ** 2, axis=-1)
    mask = (src[None, :] == centers[:, None]).astype(err_edge.dtype)
    loss_sum = mask @ err_edge
    cnt = jnp.sum(mask, axis=1)
    aux_loss = jnp.mean(loss_sum / jnp.maximum(cnt, 1.0))
    num_centers = centers.shape[0]
    stats_centers = jnp.asarray(float(num_centers), dtype=err_edge.dtype)
    total_pairs = jnp.sum(cnt)
    stats_pairs = total_pairs.astype(err_edge.dtype)
    mean_pair_loss = jnp.sum(loss_sum) / total_pairs
    max_deg = jnp.max(cnt).astype(err_edge.dtype)
    return (aux_loss, stats_centers, stats_pairs, mean_pair_loss, max_deg)

if __name__ == "__main__":
    import jax
    _d = setup_inputs()
    print(jax.jit(kernel)(*tuple(_d.values())))

</pallas_src>

<mosaic_0001>
#map = affine_map<(d0, d1) -> (0, 0)>
#map1 = affine_map<(d0, d1) -> (0)>
#map2 = affine_map<(d0, d1) -> (0, 0, 0)>
module attributes {stable_mosaic.version = 14 : i64} {
  func.func @_sc_scatter_body(%arg0: i32, %arg1: i32, %arg2: memref<32x10000xi32, #tpu.memory_space<hbm>>, %arg3: memref<32x10000xi32, #tpu.memory_space<hbm>>, %arg4: memref<10240xf32, #tpu.memory_space<hbm>>, %arg5: memref<128xi32, #tpu.memory_space<hbm>>, %arg6: memref<32x2x128xf32, #tpu.memory_space<hbm>>, %arg7: memref<10000xi32, #tpu.memory_space<vmem>>, %arg8: memref<10000xi32, #tpu.memory_space<vmem>>, %arg9: memref<10240xf32, #tpu.memory_space<vmem>>, %arg10: memref<10000xf32, #tpu.memory_space<vmem>>, %arg11: memref<10000xf32, #tpu.memory_space<vmem>>, %arg12: memref<128xi32, #tpu.memory_space<vmem>>, %arg13: memref<2x128xf32, #tpu.memory_space<vmem>>, %arg14: memref<!tpu.dma_semaphore, #tpu.memory_space<semaphore_mem>>) attributes {dimension_semantics = [#tpu.dimension_semantics<core_parallel>, #tpu.dimension_semantics<subcore_parallel>], iteration_bounds = array<i64: 2, 16>, scalar_prefetch = 0 : i64, scratch_operands = 8 : i64, tpu.core_type = #tpu.core_type<sc_vector_subcore>, window_params = [{transform_indices = #map}, {transform_indices = #map}, {transform_indices = #map1}, {transform_indices = #map1}, {transform_indices = #map2}]} {
    %mul3A = arith.constant 2 : i32
    %mul3A_0 = arith.muli %arg1, %mul3A : i32
    %add3A = arith.addi %mul3A_0, %arg0 : i32
    %dma_start3A = arith.constant 0 : i32
    %dma_start3A_1 = tpu.memref_slice %arg2[%add3A, %dma_start3A] : memref<32x10000xi32, #tpu.memory_space<hbm>> -> memref<1x10000xi32, #tpu.memory_space<hbm>>
    %dma_start3A_2 = tpu.memref_squeeze %dma_start3A_1 : memref<1x10000xi32, #tpu.memory_space<hbm>> -> memref<10000xi32, #tpu.memory_space<hbm>>
    %dma_start3A_3 = arith.constant 0 : i32
    %dma_start3A_4 = tpu.memref_slice %arg2[%add3A, %dma_start3A_3] : memref<32x10000xi32, #tpu.memory_space<hbm>> -> memref<1x10000xi32, #tpu.memory_space<hbm>>
    %dma_start3A_5 = tpu.memref_squeeze %dma_start3A_4 : memref<1x10000xi32, #tpu.memory_space<hbm>> -> memref<10000xi32, #tpu.memory_space<hbm>>
    tpu.enqueue_dma source(%dma_start3A_5 : memref<10000xi32, #tpu.memory_space<hbm>>) target(%arg7 : memref<10000xi32, #tpu.memory_space<vmem>>) target_semaphore(%arg14 : memref<!tpu.dma_semaphore, #tpu.memory_space<semaphore_mem>>)
    %dma_start3A_6 = arith.constant 0 : i32
    %dma_start3A_7 = tpu.memref_slice %arg3[%add3A, %dma_start3A_6] : memref<32x10000xi32, #tpu.memory_space<hbm>> -> memref<1x10000xi32, #tpu.memory_space<hbm>>
    %dma_start3A_8 = tpu.memref_squeeze %dma_start3A_7 : memref<1x10000xi32, #tpu.memory_space<hbm>> -> memref<10000xi32, #tpu.memory_space<hbm>>
    %dma_start3A_9 = arith.constant 0 : i32
    %dma_start3A_10 = tpu.memref_slice %arg3[%add3A, %dma_start3A_9] : memref<32x10000xi32, #tpu.memory_space<hbm>> -> memref<1x10000xi32, #tpu.memory_space<hbm>>
    %dma_start3A_11 = tpu.memref_squeeze %dma_start3A_10 : memref<1x10000xi32, #tpu.memory_space<hbm>> -> memref<10000xi32, #tpu.memory_space<hbm>>
    tpu.enqueue_dma source(%dma_start3A_11 : memref<10000xi32, #tpu.memory_space<hbm>>) target(%arg8 : memref<10000xi32, #tpu.memory_space<vmem>>) target_semaphore(%arg14 : memref<!tpu.dma_semaphore, #tpu.memory_space<semaphore_mem>>)
    tpu.enqueue_dma source(%arg4 : memref<10240xf32, #tpu.memory_space<hbm>>) target(%arg9 : memref<10240xf32, #tpu.memory_space<vmem>>) target_semaphore(%arg14 : memref<!tpu.dma_semaphore, #tpu.memory_space<semaphore_mem>>)
    tpu.enqueue_dma source(%arg5 : memref<128xi32, #tpu.memory_space<hbm>>) target(%arg12 : memref<128xi32, #tpu.memory_space<vmem>>) target_semaphore(%arg14 : memref<!tpu.dma_semaphore, #tpu.memory_space<semaphore_mem>>)
    %broadcast_in_dim3A = arith.constant 0.000000e+00 : f32
    %broadcast_in_dim3A_12 = vector.broadcast %broadcast_in_dim3A : f32 to vector<16xf32>
    %scan3A = arith.constant 0 : i32
    %scan3A_13 = arith.constant 0 : i32
    %scan3A_14 = arith.constant 625 : i32
    %scan3A_15 = arith.addi %scan3A_13, %scan3A_14 : i32
    %scan3A_16 = arith.constant 1 : i32
    scf.for %scan3A_151 = %scan3A_13 to %scan3A_15 step %scan3A_16  : i32 {
      %mul3A_152 = arith.constant 16 : i32
      %mul3A_153 = arith.muli %scan3A_151, %mul3A_152 : i32
      %swap3A_154 = arith.index_cast %mul3A_153 : i32 to index
      %swap3A_155 = tpu.vector_load %arg10[%swap3A_154] {strides = array<i32>} : memref<10000xf32, #tpu.memory_space<vmem>>, vector<16xf32>,
      tpu.vector_store %arg10[%swap3A_154], %broadcast_in_dim3A_12 {strides = array<i32>} : memref<10000xf32, #tpu.memory_space<vmem>>, vector<16xf32>,
      %mul3A_156 = arith.constant 16 : i32
      %mul3A_157 = arith.muli %scan3A_151, %mul3A_156 : i32
      %swap3A_158 = arith.index_cast %mul3A_157 : i32 to index
      %swap3A_159 = tpu.vector_load %arg11[%swap3A_158] {strides = array<i32>} : memref<10000xf32, #tpu.memory_space<vmem>>, vector<16xf32>,
      tpu.vector_store %arg11[%swap3A_158], %broadcast_in_dim3A_12 {strides = array<i32>} : memref<10000xf32, #tpu.memory_space<vmem>>, vector<16xf32>,
    }
    %scan3A_17 = arith.constant 625 : i32
    %dma_wait3A = arith.constant 0 : i32
    %dma_wait3A_18 = tpu.memref_slice %arg2[%add3A, %dma_wait3A] : memref<32x10000xi32, #tpu.memory_space<hbm>> -> memref<1x10000xi32, #tpu.memory_space<hbm>>
    %dma_wait3A_19 = tpu.memref_squeeze %dma_wait3A_18 : memref<1x10000xi32, #tpu.memory_space<hbm>> -> memref<10000xi32, #tpu.memory_space<hbm>>
    %dma_wait3A_20 = arith.constant 0 : i32
    %dma_wait3A_21 = tpu.memref_slice %arg2[%add3A, %dma_wait3A_20] : memref<32x10000xi32, #tpu.memory_space<hbm>> -> memref<1x10000xi32, #tpu.memory_space<hbm>>
    %dma_wait3A_22 = tpu.memref_squeeze %dma_wait3A_21 : memref<1x10000xi32, #tpu.memory_space<hbm>> -> memref<10000xi32, #tpu.memory_space<hbm>>
    tpu.wait_dma2 semaphore(%arg14 : memref<!tpu.dma_semaphore, #tpu.memory_space<semaphore_mem>>) src(%dma_wait3A_22 : memref<10000xi32, #tpu.memory_space<hbm>>) dst(%arg7 : memref<10000xi32, #tpu.memory_space<vmem>>)
    %dma_wait3A_23 = arith.constant 0 : i32
    %dma_wait3A_24 = tpu.memref_slice %arg3[%add3A, %dma_wait3A_23] : memref<32x10000xi32, #tpu.memory_space<hbm>> -> memref<1x10000xi32, #tpu.memory_space<hbm>>
    %dma_wait3A_25 = tpu.memref_squeeze %dma_wait3A_24 : memref<1x10000xi32, #tpu.memory_space<hbm>> -> memref<10000xi32, #tpu.memory_space<hbm>>
    %dma_wait3A_26 = arith.constant 0 : i32
    %dma_wait3A_27 = tpu.memref_slice %arg3[%add3A, %dma_wait3A_26] : memref<32x10000xi32, #tpu.memory_space<hbm>> -> memref<1x10000xi32, #tpu.memory_space<hbm>>
    %dma_wait3A_28 = tpu.memref_squeeze %dma_wait3A_27 : memref<1x10000xi32, #tpu.memory_space<hbm>> -> memref<10000xi32, #tpu.memory_space<hbm>>
    tpu.wait_dma2 semaphore(%arg14 : memref<!tpu.dma_semaphore, #tpu.memory_space<semaphore_mem>>) src(%dma_wait3A_28 : memref<10000xi32, #tpu.memory_space<hbm>>) dst(%arg8 : memref<10000xi32, #tpu.memory_space<vmem>>)
    tpu.wait_dma2 semaphore(%arg14 : memref<!tpu.dma_semaphore, #tpu.memory_space<semaphore_mem>>) src(%arg4 : memref<10240xf32, #tpu.memory_space<hbm>>) dst(%arg9 : memref<10240xf32, #tpu.memory_space<vmem>>)
    tpu.wait_dma2 semaphore(%arg14 : memref<!tpu.dma_semaphore, #tpu.memory_space<semaphore_mem>>) src(%arg5 : memref<128xi32, #tpu.memory_space<hbm>>) dst(%arg12 : memref<128xi32, #tpu.memory_space<vmem>>)
    %scan3A_29 = arith.constant 0 : i32
    %scan3A_30 = arith.constant 0 : i32
    %scan3A_31 = arith.constant 78 : i32
    %scan3A_32 = arith.addi %scan3A_30, %scan3A_31 : i32
    %scan3A_33 = arith.constant 1 : i32
    scf.for %scan3A_151 = %scan3A_30 to %scan3A_32 step %scan3A_33  : i32 {
      %mul3A_152 = arith.constant 128 : i32
      %mul3A_153 = arith.muli %scan3A_151, %mul3A_152 : i32
      %broadcast_in_dim3A_154 = arith.constant false
      %broadcast_in_dim3A_155 = vector.broadcast %broadcast_in_dim3A_154 : i1 to vector<16xi1>
      %add3A_156 = arith.constant 0 : i32
      %add3A_157 = arith.addi %mul3A_153, %add3A_156 : i32
      %get3A_158 = arith.index_cast %add3A_157 : i32 to index
      %get3A_159 = tpu.vector_load %arg7[%get3A_158] {strides = array<i32>} : memref<10000xi32, #tpu.memory_space<vmem>>, vector<16xi32>,
      %get3A_160 = arith.index_cast %add3A_157 : i32 to index
      %get3A_161 = tpu.vector_load %arg8[%get3A_160] {strides = array<i32>} : memref<10000xi32, #tpu.memory_space<vmem>>, vector<16xi32>,
      %gather3A_162 = tpu.vector_load_idx %arg9[%get3A_161] : memref<10240xf32, #tpu.memory_space<vmem>>[vector<16xi32>], vector<16xf32>,
      %broadcast_in_dim3A_163 = arith.constant true
      %broadcast_in_dim3A_164 = vector.broadcast %broadcast_in_dim3A_163 : i1 to vector<16xi1>
      %unique3A_165, %unique3A_166 = tpu.scan_count mask(%broadcast_in_dim3A_164 : vector<16xi1>) value(%get3A_159 : vector<16xi32>) : vector<16xi1>, vector<16xi32>
      %convert_element_type3A_167 = arith.sitofp %unique3A_166 : vector<16xi32> to vector<16xf32>
      tpu.vector_store_idx %arg11[%get3A_159], %convert_element_type3A_167 masked %unique3A_165 {add = true} : memref<10000xf32, #tpu.memory_space<vmem>>[vector<16xi32>], vector<16xf32>, vector<16xi1>
      tpu.vector_store_idx %arg10[%get3A_159], %gather3A_162 masked %unique3A_165 {add = true} : memref<10000xf32, #tpu.memory_space<vmem>>[vector<16xi32>], vector<16xf32>, vector<16xi1>
      %not3A_168 = arith.constant dense<true> : vector<16xi1>
      %not3A_169 = arith.xori %unique3A_165, %not3A_168 : vector<16xi1>
      %or3A_170 = arith.ori %broadcast_in_dim3A_155, %not3A_169 : vector<16xi1>
      %add3A_171 = arith.constant 16 : i32
      %add3A_172 = arith.addi %mul3A_153, %add3A_171 : i32
      %get3A_173 = arith.index_cast %add3A_172 : i32 to index
      %get3A_174 = tpu.vector_load %arg7[%get3A_173] {strides = array<i32>} : memref<10000xi32, #tpu.memory_space<vmem>>, vector<16xi32>,
      %get3A_175 = arith.index_cast %add3A_172 : i32 to index
      %get3A_176 = tpu.vector_load %arg8[%get3A_175] {strides = array<i32>} : memref<10000xi32, #tpu.memory_space<vmem>>, vector<16xi32>,
      %gather3A_177 = tpu.vector_load_idx %arg9[%get3A_176] : memref<10240xf32, #tpu.memory_space<vmem>>[vector<16xi32>], vector<16xf32>,
      %broadcast_in_dim3A_178 = arith.constant true
      %broadcast_in_dim3A_179 = vector.broadcast %broadcast_in_dim3A_178 : i1 to vector<16xi1>
      %unique3A_180, %unique3A_181 = tpu.scan_count mask(%broadcast_in_dim3A_179 : vector<16xi1>) value(%get3A_174 : vector<16xi32>) : vector<16xi1>, vector<16xi32>
      %convert_element_type3A_182 = arith.sitofp %unique3A_181 : vector<16xi32> to vector<16xf32>
      tpu.vector_store_idx %arg11[%get3A_174], %convert_element_type3A_182 masked %unique3A_180 {add = true} : memref<10000xf32, #tpu.memory_space<vmem>>[vector<16xi32>], vector<16xf32>, vector<16xi1>
      tpu.vector_store_idx %arg10[%get3A_174], %gather3A_177 masked %unique3A_180 {add = true} : memref<10000xf32, #tpu.memory_space<vmem>>[vector<16xi32>], vector<16xf32>, vector<16xi1>
      %not3A_183 = arith.constant dense<true> : vector<16xi1>
      %not3A_184 = arith.xori %unique3A_180, %not3A_183 : vector<16xi1>
      %or3A_185 = arith.ori %or3A_170, %not3A_184 : vector<16xi1>
      %add3A_186 = arith.constant 32 : i32
      %add3A_187 = arith.addi %mul3A_153, %add3A_186 : i32
      %get3A_188 = arith.index_cast %add3A_187 : i32 to index
      %get3A_189 = tpu.vector_load %arg7[%get3A_188] {strides = array<i32>} : memref<10000xi32, #tpu.memory_space<vmem>>, vector<16xi32>,
      %get3A_190 = arith.index_cast %add3A_187 : i32 to index
      %get3A_191 = tpu.vector_load %arg8[%get3A_190] {strides = array<i32>} : memref<10000xi32, #tpu.memory_space<vmem>>, vector<16xi32>,
      %gather3A_192 = tpu.vector_load_idx %arg9[%get3A_191] : memref<10240xf32, #tpu.memory_space<vmem>>[vector<16xi32>], vector<16xf32>,
      %broadcast_in_dim3A_193 = arith.constant true
      %broadcast_in_dim3A_194 = vector.broadcast %broadcast_in_dim3A_193 : i1 to vector<16xi1>
      %unique3A_195, %unique3A_196 = tpu.scan_count mask(%broadcast_in_dim3A_194 : vector<16xi1>) value(%get3A_189 : vector<16xi32>) : vector<16xi1>, vector<16xi32>
      %convert_element_type3A_197 = arith.sitofp %unique3A_196 : vector<16xi32> to vector<16xf32>
      tpu.vector_store_idx %arg11[%get3A_189], %convert_element_type3A_197 masked %unique3A_195 {add = true} : memref<10000xf32, #tpu.memory_space<vmem>>[vector<16xi32>], vector<16xf32>, vector<16xi1>
      tpu.vector_store_idx %arg10[%get3A_189], %gather3A_192 masked %unique3A_195 {add = true} : memref<10000xf32, #tpu.memory_space<vmem>>[vector<16xi32>], vector<16xf32>, vector<16xi1>
      %not3A_198 = arith.constant dense<true> : vector<16xi1>
      %not3A_199 = arith.xori %unique3A_195, %not3A_198 : vector<16xi1>
      %or3A_200 = arith.ori %or3A_185, %not3A_199 : vector<16xi1>
      %add3A_201 = arith.constant 48 : i32
      %add3A_202 = arith.addi %mul3A_153, %add3A_201 : i32
      %get3A_203 = arith.index_cast %add3A_202 : i32 to index
      %get3A_204 = tpu.vector_load %arg7[%get3A_203] {strides = array<i32>} : memref<10000xi32, #tpu.memory_space<vmem>>, vector<16xi32>,
      %get3A_205 = arith.index_cast %add3A_202 : i32 to index
      %get3A_206 = tpu.vector_load %arg8[%get3A_205] {strides = array<i32>} : memref<10000xi32, #tpu.memory_space<vmem>>, vector<16xi32>,
      %gather3A_207 = tpu.vector_load_idx %arg9[%get3A_206] : memref<10240xf32, #tpu.memory_space<vmem>>[vector<16xi32>], vector<16xf32>,
      %broadcast_in_dim3A_208 = arith.constant true
      %broadcast_in_dim3A_209 = vector.broadcast %broadcast_in_dim3A_208 : i1 to vector<16xi1>
      %unique3A_210, %unique3A_211 = tpu.scan_count mask(%broadcast_in_dim3A_209 : vector<16xi1>) value(%get3A_204 : vector<16xi32>) : vector<16xi1>, vector<16xi32>
      %convert_element_type3A_212 = arith.sitofp %unique3A_211 : vector<16xi32> to vector<16xf32>
      tpu.vector_store_idx %arg11[%get3A_204], %convert_element_type3A_212 masked %unique3A_210 {add = true} : memref<10000xf32, #tpu.memory_space<vmem>>[vector<16xi32>], vector<16xf32>, vector<16xi1>
      tpu.vector_store_idx %arg10[%get3A_204], %gather3A_207 masked %unique3A_210 {add = true} : memref<10000xf32, #tpu.memory_space<vmem>>[vector<16xi32>], vector<16xf32>, vector<16xi1>
      %not3A_213 = arith.constant dense<true> : vector<16xi1>
      %not3A_214 = arith.xori %unique3A_210, %not3A_213 : vector<16xi1>
      %or3A_215 = arith.ori %or3A_200, %not3A_214 : vector<16xi1>
      %add3A_216 = arith.constant 64 : i32
      %add3A_217 = arith.addi %mul3A_153, %add3A_216 : i32
      %get3A_218 = arith.index_cast %add3A_217 : i32 to index
      %get3A_219 = tpu.vector_load %arg7[%get3A_218] {strides = array<i32>} : memref<10000xi32, #tpu.memory_space<vmem>>, vector<16xi32>,
      %get3A_220 = arith.index_cast %add3A_217 : i32 to index
      %get3A_221 = tpu.vector_load %arg8[%get3A_220] {strides = array<i32>} : memref<10000xi32, #tpu.memory_space<vmem>>, vector<16xi32>,
      %gather3A_222 = tpu.vector_load_idx %arg9[%get3A_221] : memref<10240xf32, #tpu.memory_space<vmem>>[vector<16xi32>], vector<16xf32>,
      %broadcast_in_dim3A_223 = arith.constant true
      %broadcast_in_dim3A_224 = vector.broadcast %broadcast_in_dim3A_223 : i1 to vector<16xi1>
      %unique3A_225, %unique3A_226 = tpu.scan_count mask(%broadcast_in_dim3A_224 : vector<16xi1>) value(%get3A_219 : vector<16xi32>) : vector<16xi1>, vector<16xi32>
      %convert_element_type3A_227 = arith.sitofp %unique3A_226 : vector<16xi32> to vector<16xf32>
      tpu.vector_store_idx %arg11[%get3A_219], %convert_element_type3A_227 masked %unique3A_225 {add = true} : memref<10000xf32, #tpu.memory_space<vmem>>[vector<16xi32>], vector<16xf32>, vector<16xi1>
      tpu.vector_store_idx %arg10[%get3A_219], %gather3A_222 masked %unique3A_225 {add = true} : memref<10000xf32, #tpu.memory_space<vmem>>[vector<16xi32>], vector<16xf32>, vector<16xi1>
      %not3A_228 = arith.constant dense<true> : vector<16xi1>
      %not3A_229 = arith.xori %unique3A_225, %not3A_228 : vector<16xi1>
      %or3A_230 = arith.ori %or3A_215, %not3A_229 : vector<16xi1>
      %add3A_231 = arith.constant 80 : i32
      %add3A_232 = arith.addi %mul3A_153, %add3A_231 : i32
      %get3A_233 = arith.index_cast %add3A_232 : i32 to index
      %get3A_234 = tpu.vector_load %arg7[%get3A_233] {strides = array<i32>} : memref<10000xi32, #tpu.memory_space<vmem>>, vector<16xi32>,
      %get3A_235 = arith.index_cast %add3A_232 : i32 to index
      %get3A_236 = tpu.vector_load %arg8[%get3A_235] {strides = array<i32>} : memref<10000xi32, #tpu.memory_space<vmem>>, vector<16xi32>,
      %gather3A_237 = tpu.vector_load_idx %arg9[%get3A_236] : memref<10240xf32, #tpu.memory_space<vmem>>[vector<16xi32>], vector<16xf32>,
      %broadcast_in_dim3A_238 = arith.constant true
      %broadcast_in_dim3A_239 = vector.broadcast %broadcast_in_dim3A_238 : i1 to vector<16xi1>
      %unique3A_240, %unique3A_241 = tpu.scan_count mask(%broadcast_in_dim3A_239 : vector<16xi1>) value(%get3A_234 : vector<16xi32>) : vector<16xi1>, vector<16xi32>
      %convert_element_type3A_242 = arith.sitofp %unique3A_241 : vector<16xi32> to vector<16xf32>
      tpu.vector_store_idx %arg11[%get3A_234], %convert_element_type3A_242 masked %unique3A_240 {add = true} : memref<10000xf32, #tpu.memory_space<vmem>>[vector<16xi32>], vector<16xf32>, vector<16xi1>
      tpu.vector_store_idx %arg10[%get3A_234], %gather3A_237 masked %unique3A_240 {add = true} : memref<10000xf32, #tpu.memory_space<vmem>>[vector<16xi32>], vector<16xf32>, vector<16xi1>
      %not3A_243 = arith.constant dense<true> : vector<16xi1>
      %not3A_244 = arith.xori %unique3A_240, %not3A_243 : vector<16xi1>
      %or3A_245 = arith.ori %or3A_230, %not3A_244 : vector<16xi1>
      %add3A_246 = arith.constant 96 : i32
      %add3A_247 = arith.addi %mul3A_153, %add3A_246 : i32
      %get3A_248 = arith.index_cast %add3A_247 : i32 to index
      %get3A_249 = tpu.vector_load %arg7[%get3A_248] {strides = array<i32>} : memref<10000xi32, #tpu.memory_space<vmem>>, vector<16xi32>,
      %get3A_250 = arith.index_cast %add3A_247 : i32 to index
      %get3A_251 = tpu.vector_load %arg8[%get3A_250] {strides = array<i32>} : memref<10000xi32, #tpu.memory_space<vmem>>, vector<16xi32>,
      %gather3A_252 = tpu.vector_load_idx %arg9[%get3A_251] : memref<10240xf32, #tpu.memory_space<vmem>>[vector<16xi32>], vector<16xf32>,
      %broadcast_in_dim3A_253 = arith.constant true
      %broadcast_in_dim3A_254 = vector.broadcast %broadcast_in_dim3A_253 : i1 to vector<16xi1>
      %unique3A_255, %unique3A_256 = tpu.scan_count mask(%broadcast_in_dim3A_254 : vector<16xi1>) value(%get3A_249 : vector<16xi32>) : vector<16xi1>, vector<16xi32>
      %convert_element_type3A_257 = arith.sitofp %unique3A_256 : vector<16xi32> to vector<16xf32>
      tpu.vector_store_idx %arg11[%get3A_249], %convert_element_type3A_257 masked %unique3A_255 {add = true} : memref<10000xf32, #tpu.memory_space<vmem>>[vector<16xi32>], vector<16xf32>, vector<16xi1>
      tpu.vector_store_idx %arg10[%get3A_249], %gather3A_252 masked %unique3A_255 {add = true} : memref<10000xf32, #tpu.memory_space<vmem>>[vector<16xi32>], vector<16xf32>, vector<16xi1>
      %not3A_258 = arith.constant dense<true> : vector<16xi1>
      %not3A_259 = arith.xori %unique3A_255, %not3A_258 : vector<16xi1>
      %or3A_260 = arith.ori %or3A_245, %not3A_259 : vector<16xi1>
      %add3A_261 = arith.constant 112 : i32
      %add3A_262 = arith.addi %mul3A_153, %add3A_261 : i32
      %get3A_263 = arith.index_cast %add3A_262 : i32 to index
      %get3A_264 = tpu.vector_load %arg7[%get3A_263] {strides = array<i32>} : memref<10000xi32, #tpu.memory_space<vmem>>, vector<16xi32>,
      %get3A_265 = arith.index_cast %add3A_262 : i32 to index
      %get3A_266 = tpu.vector_load %arg8[%get3A_265] {strides = array<i32>} : memref<10000xi32, #tpu.memory_space<vmem>>, vector<16xi32>,
      %gather3A_267 = tpu.vector_load_idx %arg9[%get3A_266] : memref<10240xf32, #tpu.memory_space<vmem>>[vector<16xi32>], vector<16xf32>,
      %broadcast_in_dim3A_268 = arith.constant true
      %broadcast_in_dim3A_269 = vector.broadcast %broadcast_in_dim3A_268 : i1 to vector<16xi1>
      %unique3A_270, %unique3A_271 = tpu.scan_count mask(%broadcast_in_dim3A_269 : vector<16xi1>) value(%get3A_264 : vector<16xi32>) : vector<16xi1>, vector<16xi32>
      %convert_element_type3A_272 = arith.sitofp %unique3A_271 : vector<16xi32> to vector<16xf32>
      tpu.vector_store_idx %arg11[%get3A_264], %convert_element_type3A_272 masked %unique3A_270 {add = true} : memref<10000xf32, #tpu.memory_space<vmem>>[vector<16xi32>], vector<16xf32>, vector<16xi1>
      tpu.vector_store_idx %arg10[%get3A_264], %gather3A_267 masked %unique3A_270 {add = true} : memref<10000xf32, #tpu.memory_space<vmem>>[vector<16xi32>], vector<16xf32>, vector<16xi1>
      %not3A_273 = arith.constant dense<true> : vector<16xi1>
      %not3A_274 = arith.xori %unique3A_270, %not3A_273 : vector<16xi1>
      %or3A_275 = arith.ori %or3A_260, %not3A_274 : vector<16xi1>
      %reduce_or3A_276 = arith.constant 1.000000e+00 : f32
      %reduce_or3A_277 = arith.constant 0.000000e+00 : f32
      %reduce_or3A_278 = vector.broadcast %reduce_or3A_276 : f32 to vector<16xf32>
      %reduce_or3A_279 = vector.broadcast %reduce_or3A_277 : f32 to vector<16xf32>
      %reduce_or3A_280 = arith.select %or3A_275, %reduce_or3A_278, %reduce_or3A_279 : vector<16xi1>, vector<16xf32>
      %reduce_or3A_281 = arith.constant true
      %reduce_or3A_282 = vector.broadcast %reduce_or3A_281 : i1 to vector<16xi1>
      %reduce_or3A_283 = tpu.scan <max>, %reduce_or3A_280 masked %reduce_or3A_282 : vector<16xf32>, vector<16xi1> -> vector<16xf32>
      %reduce_or3A_284 = vector.extract %reduce_or3A_283[15] : f32 from vector<16xf32>
      %reduce_or3A_285 = arith.constant 0.000000e+00 : f32
      %reduce_or3A_286 = arith.cmpf ogt, %reduce_or3A_284, %reduce_or3A_285 : f32
      %convert_element_type3A_287 = arith.extui %reduce_or3A_286 : i1 to i32
      %cond3A_288 = arith.constant 0 : i32
      %cond3A_289 = arith.cmpi ne, %convert_element_type3A_287, %cond3A_288 : i32
      scf.if %cond3A_289 {
        %add3A_290 = arith.constant 0 : i32
        %add3A_291 = arith.addi %mul3A_153, %add3A_290 : i32
        %add3A_292 = arith.constant 0 : i32
        %add3A_293 = arith.addi %mul3A_153, %add3A_292 : i32
        %get3A_294 = arith.index_cast %add3A_293 : i32 to index
        %get3A_295 = tpu.vector_load %arg7[%get3A_294] {strides = array<i32>} : memref<10000xi32, #tpu.memory_space<vmem>>, vector<16xi32>,
        %broadcast_in_dim3A_296 = arith.constant true
        %broadcast_in_dim3A_297 = vector.broadcast %broadcast_in_dim3A_296 : i1 to vector<16xi1>
        %unique3A_298, %unique3A_299 = tpu.scan_count mask(%broadcast_in_dim3A_297 : vector<16xi1>) value(%get3A_295 : vector<16xi32>) : vector<16xi1>, vector<16xi32>
        %not3A_300 = arith.constant dense<true> : vector<16xi1>
        %not3A_301 = arith.xori %unique3A_298, %not3A_300 : vector<16xi1>
        %get3A_302 = arith.index_cast %add3A_291 : i32 to index
        %get3A_303 = tpu.vector_load %arg7[%get3A_302] {strides = array<i32>} : memref<10000xi32, #tpu.memory_space<vmem>>, vector<16xi32>,
        %get3A_304 = arith.index_cast %add3A_291 : i32 to index
        %get3A_305 = tpu.vector_load %arg8[%get3A_304] {strides = array<i32>} : memref<10000xi32, #tpu.memory_space<vmem>>, vector<16xi32>,
        %gather3A_306 = tpu.vector_load_idx %arg9[%get3A_305] : memref<10240xf32, #tpu.memory_space<vmem>>[vector<16xi32>], vector<16xf32>,
        %while3A = scf.while (%while3A_433 = %not3A_301) : (vector<16xi1>) -> vector<16xi1> {
          %reduce_or3A_434 = arith.constant 1.000000e+00 : f32
          %reduce_or3A_435 = arith.constant 0.000000e+00 : f32
          %reduce_or3A_436 = vector.broadcast %reduce_or3A_434 : f32 to vector<16xf32>
          %reduce_or3A_437 = vector.broadcast %reduce_or3A_435 : f32 to vector<16xf32>
          %reduce_or3A_438 = arith.select %while3A_433, %reduce_or3A_436, %reduce_or3A_437 : vector<16xi1>, vector<16xf32>
          %reduce_or3A_439 = arith.constant true
          %reduce_or3A_440 = vector.broadcast %reduce_or3A_439 : i1 to vector<16xi1>
          %reduce_or3A_441 = tpu.scan <max>, %reduce_or3A_438 masked %reduce_or3A_440 : vector<16xf32>, vector<16xi1> -> vector<16xf32>
          %reduce_or3A_442 = vector.extract %reduce_or3A_441[15] : f32 from vector<16xf32>
          %reduce_or3A_443 = arith.constant 0.000000e+00 : f32
          %reduce_or3A_444 = arith.cmpf ogt, %reduce_or3A_442, %reduce_or3A_443 : f32
          scf.condition(%reduce_or3A_444) %while3A_433 : vector<16xi1>
        } do {
        ^bb0(%while3A_433: vector<16xi1>):
          %unique3A_434, %unique3A_435 = tpu.scan_count mask(%while3A_433 : vector<16xi1>) value(%get3A_303 : vector<16xi32>) : vector<16xi1>, vector<16xi32>
          tpu.vector_store_idx %arg10[%get3A_303], %gather3A_306 masked %unique3A_434 {add = true} : memref<10000xf32, #tpu.memory_space<vmem>>[vector<16xi32>], vector<16xf32>, vector<16xi1>
          %not3A_436 = arith.constant dense<true> : vector<16xi1>
          %not3A_437 = arith.xori %unique3A_434, %not3A_436 : vector<16xi1>
          %and3A = arith.andi %while3A_433, %not3A_437 : vector<16xi1>
          scf.yield %and3A : vector<16xi1>
        }
        %add3A_307 = arith.constant 16 : i32
        %add3A_308 = arith.addi %mul3A_153, %add3A_307 : i32
        %add3A_309 = arith.constant 16 : i32
        %add3A_310 = arith.addi %mul3A_153, %add3A_309 : i32
        %get3A_311 = arith.index_cast %add3A_310 : i32 to index
        %get3A_312 = tpu.vector_load %arg7[%get3A_311] {strides = array<i32>} : memref<10000xi32, #tpu.memory_space<vmem>>, vector<16xi32>,
        %broadcast_in_dim3A_313 = arith.constant true
        %broadcast_in_dim3A_314 = vector.broadcast %broadcast_in_dim3A_313 : i1 to vector<16xi1>
        %unique3A_315, %unique3A_316 = tpu.scan_count mask(%broadcast_in_dim3A_314 : vector<16xi1>) value(%get3A_312 : vector<16xi32>) : vector<16xi1>, vector<16xi32>
        %not3A_317 = arith.constant dense<true> : vector<16xi1>
        %not3A_318 = arith.xori %unique3A_315, %not3A_317 : vector<16xi1>
        %get3A_319 = arith.index_cast %add3A_308 : i32 to index
        %get3A_320 = tpu.vector_load %arg7[%get3A_319] {strides = array<i32>} : memref<10000xi32, #tpu.memory_space<vmem>>, vector<16xi32>,
        %get3A_321 = arith.index_cast %add3A_308 : i32 to index
        %get3A_322 = tpu.vector_load %arg8[%get3A_321] {strides = array<i32>} : memref<10000xi32, #tpu.memory_space<vmem>>, vector<16xi32>,
        %gather3A_323 = tpu.vector_load_idx %arg9[%get3A_322] : memref<10240xf32, #tpu.memory_space<vmem>>[vector<16xi32>], vector<16xf32>,
        %while3A_324 = scf.while (%while3A_433 = %not3A_318) : (vector<16xi1>) -> vector<16xi1> {
          %reduce_or3A_434 = arith.constant 1.000000e+00 : f32
          %reduce_or3A_435 = arith.constant 0.000000e+00 : f32
          %reduce_or3A_436 = vector.broadcast %reduce_or3A_434 : f32 to vector<16xf32>
          %reduce_or3A_437 = vector.broadcast %reduce_or3A_435 : f32 to vector<16xf32>
          %reduce_or3A_438 = arith.select %while3A_433, %reduce_or3A_436, %reduce_or3A_437 : vector<16xi1>, vector<16xf32>
          %reduce_or3A_439 = arith.constant true
          %reduce_or3A_440 = vector.broadcast %reduce_or3A_439 : i1 to vector<16xi1>
          %reduce_or3A_441 = tpu.scan <max>, %reduce_or3A_438 masked %reduce_or3A_440 : vector<16xf32>, vector<16xi1> -> vector<16xf32>
          %reduce_or3A_442 = vector.extract %reduce_or3A_441[15] : f32 from vector<16xf32>
          %reduce_or3A_443 = arith.constant 0.000000e+00 : f32
          %reduce_or3A_444 = arith.cmpf ogt, %reduce_or3A_442, %reduce_or3A_443 : f32
          scf.condition(%reduce_or3A_444) %while3A_433 : vector<16xi1>
        } do {
        ^bb0(%while3A_433: vector<16xi1>):
          %unique3A_434, %unique3A_435 = tpu.scan_count mask(%while3A_433 : vector<16xi1>) value(%get3A_320 : vector<16xi32>) : vector<16xi1>, vector<16xi32>
          tpu.vector_store_idx %arg10[%get3A_320], %gather3A_323 masked %unique3A_434 {add = true} : memref<10000xf32, #tpu.memory_space<vmem>>[vector<16xi32>], vector<16xf32>, vector<16xi1>
          %not3A_436 = arith.constant dense<true> : vector<16xi1>
          %not3A_437 = arith.xori %unique3A_434, %not3A_436 : vector<16xi1>
          %and3A = arith.andi %while3A_433, %not3A_437 : vector<16xi1>
          scf.yield %and3A : vector<16xi1>
        }
        %add3A_325 = arith.constant 32 : i32
        %add3A_326 = arith.addi %mul3A_153, %add3A_325 : i32
        %add3A_327 = arith.constant 32 : i32
        %add3A_328 = arith.addi %mul3A_153, %add3A_327 : i32
        %get3A_329 = arith.index_cast %add3A_328 : i32 to index
        %get3A_330 = tpu.vector_load %arg7[%get3A_329] {strides = array<i32>} : memref<10000xi32, #tpu.memory_space<vmem>>, vector<16xi32>,
        %broadcast_in_dim3A_331 = arith.constant true
        %broadcast_in_dim3A_332 = vector.broadcast %broadcast_in_dim3A_331 : i1 to vector<16xi1>
        %unique3A_333, %unique3A_334 = tpu.scan_count mask(%broadcast_in_dim3A_332 : vector<16xi1>) value(%get3A_330 : vector<16xi32>) : vector<16xi1>, vector<16xi32>
        %not3A_335 = arith.constant dense<true> : vector<16xi1>
        %not3A_336 = arith.xori %unique3A_333, %not3A_335 : vector<16xi1>
        %get3A_337 = arith.index_cast %add3A_326 : i32 to index
        %get3A_338 = tpu.vector_load %arg7[%get3A_337] {strides = array<i32>} : memref<10000xi32, #tpu.memory_space<vmem>>, vector<16xi32>,
        %get3A_339 = arith.index_cast %add3A_326 : i32 to index
        %get3A_340 = tpu.vector_load %arg8[%get3A_339] {strides = array<i32>} : memref<10000xi32, #tpu.memory_space<vmem>>, vector<16xi32>,
        %gather3A_341 = tpu.vector_load_idx %arg9[%get3A_340] : memref<10240xf32, #tpu.memory_space<vmem>>[vector<16xi32>], vector<16xf32>,
        %while3A_342 = scf.while (%while3A_433 = %not3A_336) : (vector<16xi1>) -> vector<16xi1> {
          %reduce_or3A_434 = arith.constant 1.000000e+00 : f32
          %reduce_or3A_435 = arith.constant 0.000000e+00 : f32
          %reduce_or3A_436 = vector.broadcast %reduce_or3A_434 : f32 to vector<16xf32>
          %reduce_or3A_437 = vector.broadcast %reduce_or3A_435 : f32 to vector<16xf32>
          %reduce_or3A_438 = arith.select %while3A_433, %reduce_or3A_436, %reduce_or3A_437 : vector<16xi1>, vector<16xf32>
          %reduce_or3A_439 = arith.constant true
          %reduce_or3A_440 = vector.broadcast %reduce_or3A_439 : i1 to vector<16xi1>
          %reduce_or3A_441 = tpu.scan <max>, %reduce_or3A_438 masked %reduce_or3A_440 : vector<16xf32>, vector<16xi1> -> vector<16xf32>
          %reduce_or3A_442 = vector.extract %reduce_or3A_441[15] : f32 from vector<16xf32>
          %reduce_or3A_443 = arith.constant 0.000000e+00 : f32
          %reduce_or3A_444 = arith.cmpf ogt, %reduce_or3A_442, %reduce_or3A_443 : f32
          scf.condition(%reduce_or3A_444) %while3A_433 : vector<16xi1>
        } do {
        ^bb0(%while3A_433: vector<16xi1>):
          %unique3A_434, %unique3A_435 = tpu.scan_count mask(%while3A_433 : vector<16xi1>) value(%get3A_338 : vector<16xi32>) : vector<16xi1>, vector<16xi32>
          tpu.vector_store_idx %arg10[%get3A_338], %gather3A_341 masked %unique3A_434 {add = true} : memref<10000xf32, #tpu.memory_space<vmem>>[vector<16xi32>], vector<16xf32>, vector<16xi1>
          %not3A_436 = arith.constant dense<true> : vector<16xi1>
          %not3A_437 = arith.xori %unique3A_434, %not3A_436 : vector<16xi1>
          %and3A = arith.andi %while3A_433, %not3A_437 : vector<16xi1>
          scf.yield %and3A : vector<16xi1>
        }
        %add3A_343 = arith.constant 48 : i32
        %add3A_344 = arith.addi %mul3A_153, %add3A_343 : i32
        %add3A_345 = arith.constant 48 : i32
        %add3A_346 = arith.addi %mul3A_153, %add3A_345 : i32
        %get3A_347 = arith.index_cast %add3A_346 : i32 to index
        %get3A_348 = tpu.vector_load %arg7[%get3A_347] {strides = array<i32>} : memref<10000xi32, #tpu.memory_space<vmem>>, vector<16xi32>,
        %broadcast_in_dim3A_349 = arith.constant true
        %broadcast_in_dim3A_350 = vector.broadcast %broadcast_in_dim3A_349 : i1 to vector<16xi1>
        %unique3A_351, %unique3A_352 = tpu.scan_count mask(%broadcast_in_dim3A_350 : vector<16xi1>) value(%get3A_348 : vector<16xi32>) : vector<16xi1>, vector<16xi32>
        %not3A_353 = arith.constant dense<true> : vector<16xi1>
        %not3A_354 = arith.xori %unique3A_351, %not3A_353 : vector<16xi1>
        %get3A_355 = arith.index_cast %add3A_344 : i32 to index
        %get3A_356 = tpu.vector_load %arg7[%get3A_355] {strides = array<i32>} : memref<10000xi32, #tpu.memory_space<vmem>>, vector<16xi32>,
        %get3A_357 = arith.index_cast %add3A_344 : i32 to index
        %get3A_358 = tpu.vector_load %arg8[%get3A_357] {strides = array<i32>} : memref<10000xi32, #tpu.memory_space<vmem>>, vector<16xi32>,
        %gather3A_359 = tpu.vector_load_idx %arg9[%get3A_358] : memref<10240xf32, #tpu.memory_space<vmem>>[vector<16xi32>], vector<16xf32>,
        %while3A_360 = scf.while (%while3A_433 = %not3A_354) : (vector<16xi1>) -> vector<16xi1> {
          %reduce_or3A_434 = arith.constant 1.000000e+00 : f32
          %reduce_or3A_435 = arith.constant 0.000000e+00 : f32
          %reduce_or3A_436 = vector.broadcast %reduce_or3A_434 : f32 to vector<16xf32>
          %reduce_or3A_437 = vector.broadcast %reduce_or3A_435 : f32 to vector<16xf32>
          %reduce_or3A_438 = arith.select %while3A_433, %reduce_or3A_436, %reduce_or3A_437 : vector<16xi1>, vector<16xf32>
          %reduce_or3A_439 = arith.constant true
          %reduce_or3A_440 = vector.broadcast %reduce_or3A_439 : i1 to vector<16xi1>
          %reduce_or3A_441 = tpu.scan <max>, %reduce_or3A_438 masked %reduce_or3A_440 : vector<16xf32>, vector<16xi1> -> vector<16xf32>
          %reduce_or3A_442 = vector.extract %reduce_or3A_441[15] : f32 from vector<16xf32>
          %reduce_or3A_443 = arith.constant 0.000000e+00 : f32
          %reduce_or3A_444 = arith.cmpf ogt, %reduce_or3A_442, %reduce_or3A_443 : f32
          scf.condition(%reduce_or3A_444) %while3A_433 : vector<16xi1>
        } do {
        ^bb0(%while3A_433: vector<16xi1>):
          %unique3A_434, %unique3A_435 = tpu.scan_count mask(%while3A_433 : vector<16xi1>) value(%get3A_356 : vector<16xi32>) : vector<16xi1>, vector<16xi32>
          tpu.vector_store_idx %arg10[%get3A_356], %gather3A_359 masked %unique3A_434 {add = true} : memref<10000xf32, #tpu.memory_space<vmem>>[vector<16xi32>], vector<16xf32>, vector<16xi1>
          %not3A_436 = arith.constant dense<true> : vector<16xi1>
          %not3A_437 = arith.xori %unique3A_434, %not3A_436 : vector<16xi1>
          %and3A = arith.andi %while3A_433, %not3A_437 : vector<16xi1>
          scf.yield %and3A : vector<16xi1>
        }
        %add3A_361 = arith.constant 64 : i32
        %add3A_362 = arith.addi %mul3A_153, %add3A_361 : i32
        %add3A_363 = arith.constant 64 : i32
        %add3A_364 = arith.addi %mul3A_153, %add3A_363 : i32
        %get3A_365 = arith.index_cast %add3A_364 : i32 to index
        %get3A_366 = tpu.vector_load %arg7[%get3A_365] {strides = array<i32>} : memref<10000xi32, #tpu.memory_space<vmem>>, vector<16xi32>,
        %broadcast_in_dim3A_367 = arith.constant true
        %broadcast_in_dim3A_368 = vector.broadcast %broadcast_in_dim3A_367 : i1 to vector<16xi1>
        %unique3A_369, %unique3A_370 = tpu.scan_count mask(%broadcast_in_dim3A_368 : vector<16xi1>) value(%get3A_366 : vector<16xi32>) : vector<16xi1>, vector<16xi32>
        %not3A_371 = arith.constant dense<true> : vector<16xi1>
        %not3A_372 = arith.xori %unique3A_369, %not3A_371 : vector<16xi1>
        %get3A_373 = arith.index_cast %add3A_362 : i32 to index
        %get3A_374 = tpu.vector_load %arg7[%get3A_373] {strides = array<i32>} : memref<10000xi32, #tpu.memory_space<vmem>>, vector<16xi32>,
        %get3A_375 = arith.index_cast %add3A_362 : i32 to index
        %get3A_376 = tpu.vector_load %arg8[%get3A_375] {strides = array<i32>} : memref<10000xi32, #tpu.memory_space<vmem>>, vector<16xi32>,
        %gather3A_377 = tpu.vector_load_idx %arg9[%get3A_376] : memref<10240xf32, #tpu.memory_space<vmem>>[vector<16xi32>], vector<16xf32>,
        %while3A_378 = scf.while (%while3A_433 = %not3A_372) : (vector<16xi1>) -> vector<16xi1> {
          %reduce_or3A_434 = arith.constant 1.000000e+00 : f32
          %reduce_or3A_435 = arith.constant 0.000000e+00 : f32
          %reduce_or3A_436 = vector.broadcast %reduce_or3A_434 : f32 to vector<16xf32>
          %reduce_or3A_437 = vector.broadcast %reduce_or3A_435 : f32 to vector<16xf32>
          %reduce_or3A_438 = arith.select %while3A_433, %reduce_or3A_436, %reduce_or3A_437 : vector<16xi1>, vector<16xf32>
          %reduce_or3A_439 = arith.constant true
          %reduce_or3A_440 = vector.broadcast %reduce_or3A_439 : i1 to vector<16xi1>
          %reduce_or3A_441 = tpu.scan <max>, %reduce_or3A_438 masked %reduce_or3A_440 : vector<16xf32>, vector<16xi1> -> vector<16xf32>
          %reduce_or3A_442 = vector.extract %reduce_or3A_441[15] : f32 from vector<16xf32>
          %reduce_or3A_443 = arith.constant 0.000000e+00 : f32
          %reduce_or3A_444 = arith.cmpf ogt, %reduce_or3A_442, %reduce_or3A_443 : f32
          scf.condition(%reduce_or3A_444) %while3A_433 : vector<16xi1>
        } do {
        ^bb0(%while3A_433: vector<16xi1>):
          %unique3A_434, %unique3A_435 = tpu.scan_count mask(%while3A_433 : vector<16xi1>) value(%get3A_374 : vector<16xi32>) : vector<16xi1>, vector<16xi32>
          tpu.vector_store_idx %arg10[%get3A_374], %gather3A_377 masked %unique3A_434 {add = true} : memref<10000xf32, #tpu.memory_space<vmem>>[vector<16xi32>], vector<16xf32>, vector<16xi1>
          %not3A_436 = arith.constant dense<true> : vector<16xi1>
          %not3A_437 = arith.xori %unique3A_434, %not3A_436 : vector<16xi1>
          %and3A = arith.andi %while3A_433, %not3A_437 : vector<16xi1>
          scf.yield %and3A : vector<16xi1>
        }
        %add3A_379 = arith.constant 80 : i32
        %add3A_380 = arith.addi %mul3A_153, %add3A_379 : i32
        %add3A_381 = arith.constant 80 : i32
        %add3A_382 = arith.addi %mul3A_153, %add3A_381 : i32
        %get3A_383 = arith.index_cast %add3A_382 : i32 to index
        %get3A_384 = tpu.vector_load %arg7[%get3A_383] {strides = array<i32>} : memref<10000xi32, #tpu.memory_space<vmem>>, vector<16xi32>,
        %broadcast_in_dim3A_385 = arith.constant true
        %broadcast_in_dim3A_386 = vector.broadcast %broadcast_in_dim3A_385 : i1 to vector<16xi1>
        %unique3A_387, %unique3A_388 = tpu.scan_count mask(%broadcast_in_dim3A_386 : vector<16xi1>) value(%get3A_384 : vector<16xi32>) : vector<16xi1>, vector<16xi32>
        %not3A_389 = arith.constant dense<true> : vector<16xi1>
        %not3A_390 = arith.xori %unique3A_387, %not3A_389 : vector<16xi1>
        %get3A_391 = arith.index_cast %add3A_380 : i32 to index
        %get3A_392 = tpu.vector_load %arg7[%get3A_391] {strides = array<i32>} : memref<10000xi32, #tpu.memory_space<vmem>>, vector<16xi32>,
        %get3A_393 = arith.index_cast %add3A_380 : i32 to index
        %get3A_394 = tpu.vector_load %arg8[%get3A_393] {strides = array<i32>} : memref<10000xi32, #tpu.memory_space<vmem>>, vector<16xi32>,
        %gather3A_395 = tpu.vector_load_idx %arg9[%get3A_394] : memref<10240xf32, #tpu.memory_space<vmem>>[vector<16xi32>], vector<16xf32>,
        %while3A_396 = scf.while (%while3A_433 = %not3A_390) : (vector<16xi1>) -> vector<16xi1> {
          %reduce_or3A_434 = arith.constant 1.000000e+00 : f32
          %reduce_or3A_435 = arith.constant 0.000000e+00 : f32
          %reduce_or3A_436 = vector.broadcast %reduce_or3A_434 : f32 to vector<16xf32>
          %reduce_or3A_437 = vector.broadcast %reduce_or3A_435 : f32 to vector<16xf32>
          %reduce_or3A_438 = arith.select %while3A_433, %reduce_or3A_436, %reduce_or3A_437 : vector<16xi1>, vector<16xf32>
          %reduce_or3A_439 = arith.constant true
          %reduce_or3A_440 = vector.broadcast %reduce_or3A_439 : i1 to vector<16xi1>
          %reduce_or3A_441 = tpu.scan <max>, %reduce_or3A_438 masked %reduce_or3A_440 : vector<16xf32>, vector<16xi1> -> vector<16xf32>
          %reduce_or3A_442 = vector.extract %reduce_or3A_441[15] : f32 from vector<16xf32>
          %reduce_or3A_443 = arith.constant 0.000000e+00 : f32
          %reduce_or3A_444 = arith.cmpf ogt, %reduce_or3A_442, %reduce_or3A_443 : f32
          scf.condition(%reduce_or3A_444) %while3A_433 : vector<16xi1>
        } do {
        ^bb0(%while3A_433: vector<16xi1>):
          %unique3A_434, %unique3A_435 = tpu.scan_count mask(%while3A_433 : vector<16xi1>) value(%get3A_392 : vector<16xi32>) : vector<16xi1>, vector<16xi32>
          tpu.vector_store_idx %arg10[%get3A_392], %gather3A_395 masked %unique3A_434 {add = true} : memref<10000xf32, #tpu.memory_space<vmem>>[vector<16xi32>], vector<16xf32>, vector<16xi1>
          %not3A_436 = arith.constant dense<true> : vector<16xi1>
          %not3A_437 = arith.xori %unique3A_434, %not3A_436 : vector<16xi1>
          %and3A = arith.andi %while3A_433, %not3A_437 : vector<16xi1>
          scf.yield %and3A : vector<16xi1>
        }
        %add3A_397 = arith.constant 96 : i32
        %add3A_398 = arith.addi %mul3A_153, %add3A_397 : i32
        %add3A_399 = arith.constant 96 : i32
        %add3A_400 = arith.addi %mul3A_153, %add3A_399 : i32
        %get3A_401 = arith.index_cast %add3A_400 : i32 to index
        %get3A_402 = tpu.vector_load %arg7[%get3A_401] {strides = array<i32>} : memref<10000xi32, #tpu.memory_space<vmem>>, vector<16xi32>,
        %broadcast_in_dim3A_403 = arith.constant true
        %broadcast_in_dim3A_404 = vector.broadcast %broadcast_in_dim3A_403 : i1 to vector<16xi1>
        %unique3A_405, %unique3A_406 = tpu.scan_count mask(%broadcast_in_dim3A_404 : vector<16xi1>) value(%get3A_402 : vector<16xi32>) : vector<16xi1>, vector<16xi32>
        %not3A_407 = arith.constant dense<true> : vector<16xi1>
        %not3A_408 = arith.xori %unique3A_405, %not3A_407 : vector<16xi1>
        %get3A_409 = arith.index_cast %add3A_398 : i32 to index
        %get3A_410 = tpu.vector_load %arg7[%get3A_409] {strides = array<i32>} : memref<10000xi32, #tpu.memory_space<vmem>>, vector<16xi32>,
        %get3A_411 = arith.index_cast %add3A_398 : i32 to index
        %get3A_412 = tpu.vector_load %arg8[%get3A_411] {strides = array<i32>} : memref<10000xi32, #tpu.memory_space<vmem>>, vector<16xi32>,
        %gather3A_413 = tpu.vector_load_idx %arg9[%get3A_412] : memref<10240xf32, #tpu.memory_space<vmem>>[vector<16xi32>], vector<16xf32>,
        %while3A_414 = scf.while (%while3A_433 = %not3A_408) : (vector<16xi1>) -> vector<16xi1> {
          %reduce_or3A_434 = arith.constant 1.000000e+00 : f32
          %reduce_or3A_435 = arith.constant 0.000000e+00 : f32
          %reduce_or3A_436 = vector.broadcast %reduce_or3A_434 : f32 to vector<16xf32>
          %reduce_or3A_437 = vector.broadcast %reduce_or3A_435 : f32 to vector<16xf32>
          %reduce_or3A_438 = arith.select %while3A_433, %reduce_or3A_436, %reduce_or3A_437 : vector<16xi1>, vector<16xf32>
          %reduce_or3A_439 = arith.constant true
          %reduce_or3A_440 = vector.broadcast %reduce_or3A_439 : i1 to vector<16xi1>
          %reduce_or3A_441 = tpu.scan <max>, %reduce_or3A_438 masked %reduce_or3A_440 : vector<16xf32>, vector<16xi1> -> vector<16xf32>
          %reduce_or3A_442 = vector.extract %reduce_or3A_441[15] : f32 from vector<16xf32>
          %reduce_or3A_443 = arith.constant 0.000000e+00 : f32
          %reduce_or3A_444 = arith.cmpf ogt, %reduce_or3A_442, %reduce_or3A_443 : f32
          scf.condition(%reduce_or3A_444) %while3A_433 : vector<16xi1>
        } do {
        ^bb0(%while3A_433: vector<16xi1>):
          %unique3A_434, %unique3A_435 = tpu.scan_count mask(%while3A_433 : vector<16xi1>) value(%get3A_410 : vector<16xi32>) : vector<16xi1>, vector<16xi32>
          tpu.vector_store_idx %arg10[%get3A_410], %gather3A_413 masked %unique3A_434 {add = true} : memref<10000xf32, #tpu.memory_space<vmem>>[vector<16xi32>], vector<16xf32>, vector<16xi1>
          %not3A_436 = arith.constant dense<true> : vector<16xi1>
          %not3A_437 = arith.xori %unique3A_434, %not3A_436 : vector<16xi1>
          %and3A = arith.andi %while3A_433, %not3A_437 : vector<16xi1>
          scf.yield %and3A : vector<16xi1>
        }
        %add3A_415 = arith.constant 112 : i32
        %add3A_416 = arith.addi %mul3A_153, %add3A_415 : i32
        %add3A_417 = arith.constant 112 : i32
        %add3A_418 = arith.addi %mul3A_153, %add3A_417 : i32
        %get3A_419 = arith.index_cast %add3A_418 : i32 to index
        %get3A_420 = tpu.vector_load %arg7[%get3A_419] {strides = array<i32>} : memref<10000xi32, #tpu.memory_space<vmem>>, vector<16xi32>,
        %broadcast_in_dim3A_421 = arith.constant true
        %broadcast_in_dim3A_422 = vector.broadcast %broadcast_in_dim3A_421 : i1 to vector<16xi1>
        %unique3A_423, %unique3A_424 = tpu.scan_count mask(%broadcast_in_dim3A_422 : vector<16xi1>) value(%get3A_420 : vector<16xi32>) : vector<16xi1>, vector<16xi32>
        %not3A_425 = arith.constant dense<true> : vector<16xi1>
        %not3A_426 = arith.xori %unique3A_423, %not3A_425 : vector<16xi1>
        %get3A_427 = arith.index_cast %add3A_416 : i32 to index
        %get3A_428 = tpu.vector_load %arg7[%get3A_427] {strides = array<i32>} : memref<10000xi32, #tpu.memory_space<vmem>>, vector<16xi32>,
        %get3A_429 = arith.index_cast %add3A_416 : i32 to index
        %get3A_430 = tpu.vector_load %arg8[%get3A_429] {strides = array<i32>} : memref<10000xi32, #tpu.memory_space<vmem>>, vector<16xi32>,
        %gather3A_431 = tpu.vector_load_idx %arg9[%get3A_430] : memref<10240xf32, #tpu.memory_space<vmem>>[vector<16xi32>], vector<16xf32>,
        %while3A_432 = scf.while (%while3A_433 = %not3A_426) : (vector<16xi1>) -> vector<16xi1> {
          %reduce_or3A_434 = arith.constant 1.000000e+00 : f32
          %reduce_or3A_435 = arith.constant 0.000000e+00 : f32
          %reduce_or3A_436 = vector.broadcast %reduce_or3A_434 : f32 to vector<16xf32>
          %reduce_or3A_437 = vector.broadcast %reduce_or3A_435 : f32 to vector<16xf32>
          %reduce_or3A_438 = arith.select %while3A_433, %reduce_or3A_436, %reduce_or3A_437 : vector<16xi1>, vector<16xf32>
          %reduce_or3A_439 = arith.constant true
          %reduce_or3A_440 = vector.broadcast %reduce_or3A_439 : i1 to vector<16xi1>
          %reduce_or3A_441 = tpu.scan <max>, %reduce_or3A_438 masked %reduce_or3A_440 : vector<16xf32>, vector<16xi1> -> vector<16xf32>
          %reduce_or3A_442 = vector.extract %reduce_or3A_441[15] : f32 from vector<16xf32>
          %reduce_or3A_443 = arith.constant 0.000000e+00 : f32
          %reduce_or3A_444 = arith.cmpf ogt, %reduce_or3A_442, %reduce_or3A_443 : f32
          scf.condition(%reduce_or3A_444) %while3A_433 : vector<16xi1>
        } do {
        ^bb0(%while3A_433: vector<16xi1>):
          %unique3A_434, %unique3A_435 = tpu.scan_count mask(%while3A_433 : vector<16xi1>) value(%get3A_428 : vector<16xi32>) : vector<16xi1>, vector<16xi32>
          tpu.vector_store_idx %arg10[%get3A_428], %gather3A_431 masked %unique3A_434 {add = true} : memref<10000xf32, #tpu.memory_space<vmem>>[vector<16xi32>], vector<16xf32>, vector<16xi1>
          %not3A_436 = arith.constant dense<true> : vector<16xi1>
          %not3A_437 = arith.xori %unique3A_434, %not3A_436 : vector<16xi1>
          %and3A = arith.andi %while3A_433, %not3A_437 : vector<16xi1>
          scf.yield %and3A : vector<16xi1>
        }
      } else {
      }
    }
    %scan3A_34 = arith.constant 78 : i32
    %broadcast_in_dim3A_35 = arith.constant false
    %broadcast_in_dim3A_36 = vector.broadcast %broadcast_in_dim3A_35 : i1 to vector<16xi1>
    %get3A = arith.constant 9984 : index
    %get3A_37 = tpu.vector_load %arg7[%get3A] {strides = array<i32>} : memref<10000xi32, #tpu.memory_space<vmem>>, vector<16xi32>,
    %get3A_38 = arith.constant 9984 : index
    %get3A_39 = tpu.vector_load %arg8[%get3A_38] {strides = array<i32>} : memref<10000xi32, #tpu.memory_space<vmem>>, vector<16xi32>,
    %gather3A = tpu.vector_load_idx %arg9[%get3A_39] : memref<10240xf32, #tpu.memory_space<vmem>>[vector<16xi32>], vector<16xf32>,
    %broadcast_in_dim3A_40 = arith.constant true
    %broadcast_in_dim3A_41 = vector.broadcast %broadcast_in_dim3A_40 : i1 to vector<16xi1>
    %unique3A, %unique3A_42 = tpu.scan_count mask(%broadcast_in_dim3A_41 : vector<16xi1>) value(%get3A_37 : vector<16xi32>) : vector<16xi1>, vector<16xi32>
    %convert_element_type3A = arith.sitofp %unique3A_42 : vector<16xi32> to vector<16xf32>
    tpu.vector_store_idx %arg11[%get3A_37], %convert_element_type3A masked %unique3A {add = true} : memref<10000xf32, #tpu.memory_space<vmem>>[vector<16xi32>], vector<16xf32>, vector<16xi1>
    tpu.vector_store_idx %arg10[%get3A_37], %gather3A masked %unique3A {add = true} : memref<10000xf32, #tpu.memory_space<vmem>>[vector<16xi32>], vector<16xf32>, vector<16xi1>
    %not3A = arith.constant dense<true> : vector<16xi1>
    %not3A_43 = arith.xori %unique3A, %not3A : vector<16xi1>
    %or3A = arith.ori %broadcast_in_dim3A_36, %not3A_43 : vector<16xi1>
    %reduce_or3A = arith.constant 1.000000e+00 : f32
    %reduce_or3A_44 = arith.constant 0.000000e+00 : f32
    %reduce_or3A_45 = vector.broadcast %reduce_or3A : f32 to vector<16xf32>
    %reduce_or3A_46 = vector.broadcast %reduce_or3A_44 : f32 to vector<16xf32>
    %reduce_or3A_47 = arith.select %or3A, %reduce_or3A_45, %reduce_or3A_46 : vector<16xi1>, vector<16xf32>
    %reduce_or3A_48 = arith.constant true
    %reduce_or3A_49 = vector.broadcast %reduce_or3A_48 : i1 to vector<16xi1>
    %reduce_or3A_50 = tpu.scan <max>, %reduce_or3A_47 masked %reduce_or3A_49 : vector<16xf32>, vector<16xi1> -> vector<16xf32>
    %reduce_or3A_51 = vector.extract %reduce_or3A_50[15] : f32 from vector<16xf32>
    %reduce_or3A_52 = arith.constant 0.000000e+00 : f32
    %reduce_or3A_53 = arith.cmpf ogt, %reduce_or3A_51, %reduce_or3A_52 : f32
    %convert_element_type3A_54 = arith.extui %reduce_or3A_53 : i1 to i32
    %cond3A = arith.constant 0 : i32
    %cond3A_55 = arith.cmpi ne, %convert_element_type3A_54, %cond3A : i32
    scf.if %cond3A_55 {
      %get3A_151 = arith.constant 9984 : index
      %get3A_152 = tpu.vector_load %arg7[%get3A_151] {strides = array<i32>} : memref<10000xi32, #tpu.memory_space<vmem>>, vector<16xi32>,
      %broadcast_in_dim3A_153 = arith.constant true
      %broadcast_in_dim3A_154 = vector.broadcast %broadcast_in_dim3A_153 : i1 to vector<16xi1>
      %unique3A_155, %unique3A_156 = tpu.scan_count mask(%broadcast_in_dim3A_154 : vector<16xi1>) value(%get3A_152 : vector<16xi32>) : vector<16xi1>, vector<16xi32>
      %not3A_157 = arith.constant dense<true> : vector<16xi1>
      %not3A_158 = arith.xori %unique3A_155, %not3A_157 : vector<16xi1>
      %get3A_159 = arith.constant 9984 : index
      %get3A_160 = tpu.vector_load %arg7[%get3A_159] {strides = array<i32>} : memref<10000xi32, #tpu.memory_space<vmem>>, vector<16xi32>,
      %get3A_161 = arith.constant 9984 : index
      %get3A_162 = tpu.vector_load %arg8[%get3A_161] {strides = array<i32>} : memref<10000xi32, #tpu.memory_space<vmem>>, vector<16xi32>,
      %gather3A_163 = tpu.vector_load_idx %arg9[%get3A_162] : memref<10240xf32, #tpu.memory_space<vmem>>[vector<16xi32>], vector<16xf32>,
      %while3A = scf.while (%while3A_164 = %not3A_158) : (vector<16xi1>) -> vector<16xi1> {
        %reduce_or3A_165 = arith.constant 1.000000e+00 : f32
        %reduce_or3A_166 = arith.constant 0.000000e+00 : f32
        %reduce_or3A_167 = vector.broadcast %reduce_or3A_165 : f32 to vector<16xf32>
        %reduce_or3A_168 = vector.broadcast %reduce_or3A_166 : f32 to vector<16xf32>
        %reduce_or3A_169 = arith.select %while3A_164, %reduce_or3A_167, %reduce_or3A_168 : vector<16xi1>, vector<16xf32>
        %reduce_or3A_170 = arith.constant true
        %reduce_or3A_171 = vector.broadcast %reduce_or3A_170 : i1 to vector<16xi1>
        %reduce_or3A_172 = tpu.scan <max>, %reduce_or3A_169 masked %reduce_or3A_171 : vector<16xf32>, vector<16xi1> -> vector<16xf32>
        %reduce_or3A_173 = vector.extract %reduce_or3A_172[15] : f32 from vector<16xf32>
        %reduce_or3A_174 = arith.constant 0.000000e+00 : f32
        %reduce_or3A_175 = arith.cmpf ogt, %reduce_or3A_173, %reduce_or3A_174 : f32
        scf.condition(%reduce_or3A_175) %while3A_164 : vector<16xi1>
      } do {
      ^bb0(%while3A_164: vector<16xi1>):
        %unique3A_165, %unique3A_166 = tpu.scan_count mask(%while3A_164 : vector<16xi1>) value(%get3A_160 : vector<16xi32>) : vector<16xi1>, vector<16xi32>
        tpu.vector_store_idx %arg10[%get3A_160], %gather3A_163 masked %unique3A_165 {add = true} : memref<10000xf32, #tpu.memory_space<vmem>>[vector<16xi32>], vector<16xf32>, vector<16xi1>
        %not3A_167 = arith.constant dense<true> : vector<16xi1>
        %not3A_168 = arith.xori %unique3A_165, %not3A_167 : vector<16xi1>
        %and3A = arith.andi %while3A_164, %not3A_168 : vector<16xi1>
        scf.yield %and3A : vector<16xi1>
      }
    } else {
    }
    %get3A_56 = arith.constant 0 : index
    %get3A_57 = tpu.vector_load %arg12[%get3A_56] {strides = array<i32>} : memref<128xi32, #tpu.memory_space<vmem>>, vector<16xi32>,
    %gather3A_58 = tpu.vector_load_idx %arg10[%get3A_57] : memref<10000xf32, #tpu.memory_space<vmem>>[vector<16xi32>], vector<16xf32>,
    %swap3A = arith.constant 0 : i32
    %swap3A_59 = arith.index_cast %swap3A : i32 to index
    %swap3A_60 = arith.constant 0 : index
    %swap3A_61 = tpu.vector_load %arg13[%swap3A_59, %swap3A_60] {strides = array<i32>} : memref<2x128xf32, #tpu.memory_space<vmem>>, vector<16xf32>,
    tpu.vector_store %arg13[%swap3A_59, %swap3A_60], %gather3A_58 {strides = array<i32>} : memref<2x128xf32, #tpu.memory_space<vmem>>, vector<16xf32>,
    %gather3A_62 = tpu.vector_load_idx %arg11[%get3A_57] : memref<10000xf32, #tpu.memory_space<vmem>>[vector<16xi32>], vector<16xf32>,
    %swap3A_63 = arith.constant 1 : i32
    %swap3A_64 = arith.index_cast %swap3A_63 : i32 to index
    %swap3A_65 = arith.constant 0 : index
    %swap3A_66 = tpu.vector_load %arg13[%swap3A_64, %swap3A_65] {strides = array<i32>} : memref<2x128xf32, #tpu.memory_space<vmem>>, vector<16xf32>,
    tpu.vector_store %arg13[%swap3A_64, %swap3A_65], %gather3A_62 {strides = array<i32>} : memref<2x128xf32, #tpu.memory_space<vmem>>, vector<16xf32>,
    %get3A_67 = arith.constant 16 : index
    %get3A_68 = tpu.vector_load %arg12[%get3A_67] {strides = array<i32>} : memref<128xi32, #tpu.memory_space<vmem>>, vector<16xi32>,
    %gather3A_69 = tpu.vector_load_idx %arg10[%get3A_68] : memref<10000xf32, #tpu.memory_space<vmem>>[vector<16xi32>], vector<16xf32>,
    %swap3A_70 = arith.constant 0 : i32
    %swap3A_71 = arith.index_cast %swap3A_70 : i32 to index
    %swap3A_72 = arith.constant 16 : index
    %swap3A_73 = tpu.vector_load %arg13[%swap3A_71, %swap3A_72] {strides = array<i32>} : memref<2x128xf32, #tpu.memory_space<vmem>>, vector<16xf32>,
    tpu.vector_store %arg13[%swap3A_71, %swap3A_72], %gather3A_69 {strides = array<i32>} : memref<2x128xf32, #tpu.memory_space<vmem>>, vector<16xf32>,
    %gather3A_74 = tpu.vector_load_idx %arg11[%get3A_68] : memref<10000xf32, #tpu.memory_space<vmem>>[vector<16xi32>], vector<16xf32>,
    %swap3A_75 = arith.constant 1 : i32
    %swap3A_76 = arith.index_cast %swap3A_75 : i32 to index
    %swap3A_77 = arith.constant 16 : index
    %swap3A_78 = tpu.vector_load %arg13[%swap3A_76, %swap3A_77] {strides = array<i32>} : memref<2x128xf32, #tpu.memory_space<vmem>>, vector<16xf32>,
    tpu.vector_store %arg13[%swap3A_76, %swap3A_77], %gather3A_74 {strides = array<i32>} : memref<2x128xf32, #tpu.memory_space<vmem>>, vector<16xf32>,
    %get3A_79 = arith.constant 32 : index
    %get3A_80 = tpu.vector_load %arg12[%get3A_79] {strides = array<i32>} : memref<128xi32, #tpu.memory_space<vmem>>, vector<16xi32>,
    %gather3A_81 = tpu.vector_load_idx %arg10[%get3A_80] : memref<10000xf32, #tpu.memory_space<vmem>>[vector<16xi32>], vector<16xf32>,
    %swap3A_82 = arith.constant 0 : i32
    %swap3A_83 = arith.index_cast %swap3A_82 : i32 to index
    %swap3A_84 = arith.constant 32 : index
    %swap3A_85 = tpu.vector_load %arg13[%swap3A_83, %swap3A_84] {strides = array<i32>} : memref<2x128xf32, #tpu.memory_space<vmem>>, vector<16xf32>,
    tpu.vector_store %arg13[%swap3A_83, %swap3A_84], %gather3A_81 {strides = array<i32>} : memref<2x128xf32, #tpu.memory_space<vmem>>, vector<16xf32>,
    %gather3A_86 = tpu.vector_load_idx %arg11[%get3A_80] : memref<10000xf32, #tpu.memory_space<vmem>>[vector<16xi32>], vector<16xf32>,
    %swap3A_87 = arith.constant 1 : i32
    %swap3A_88 = arith.index_cast %swap3A_87 : i32 to index
    %swap3A_89 = arith.constant 32 : index
    %swap3A_90 = tpu.vector_load %arg13[%swap3A_88, %swap3A_89] {strides = array<i32>} : memref<2x128xf32, #tpu.memory_space<vmem>>, vector<16xf32>,
    tpu.vector_store %arg13[%swap3A_88, %swap3A_89], %gather3A_86 {strides = array<i32>} : memref<2x128xf32, #tpu.memory_space<vmem>>, vector<16xf32>,
    %get3A_91 = arith.constant 48 : index
    %get3A_92 = tpu.vector_load %arg12[%get3A_91] {strides = array<i32>} : memref<128xi32, #tpu.memory_space<vmem>>, vector<16xi32>,
    %gather3A_93 = tpu.vector_load_idx %arg10[%get3A_92] : memref<10000xf32, #tpu.memory_space<vmem>>[vector<16xi32>], vector<16xf32>,
    %swap3A_94 = arith.constant 0 : i32
    %swap3A_95 = arith.index_cast %swap3A_94 : i32 to index
    %swap3A_96 = arith.constant 48 : index
    %swap3A_97 = tpu.vector_load %arg13[%swap3A_95, %swap3A_96] {strides = array<i32>} : memref<2x128xf32, #tpu.memory_space<vmem>>, vector<16xf32>,
    tpu.vector_store %arg13[%swap3A_95, %swap3A_96], %gather3A_93 {strides = array<i32>} : memref<2x128xf32, #tpu.memory_space<vmem>>, vector<16xf32>,
    %gather3A_98 = tpu.vector_load_idx %arg11[%get3A_92] : memref<10000xf32, #tpu.memory_space<vmem>>[vector<16xi32>], vector<16xf32>,
    %swap3A_99 = arith.constant 1 : i32
    %swap3A_100 = arith.index_cast %swap3A_99 : i32 to index
    %swap3A_101 = arith.constant 48 : index
    %swap3A_102 = tpu.vector_load %arg13[%swap3A_100, %swap3A_101] {strides = array<i32>} : memref<2x128xf32, #tpu.memory_space<vmem>>, vector<16xf32>,
    tpu.vector_store %arg13[%swap3A_100, %swap3A_101], %gather3A_98 {strides = array<i32>} : memref<2x128xf32, #tpu.memory_space<vmem>>, vector<16xf32>,
    %get3A_103 = arith.constant 64 : index
    %get3A_104 = tpu.vector_load %arg12[%get3A_103] {strides = array<i32>} : memref<128xi32, #tpu.memory_space<vmem>>, vector<16xi32>,
    %gather3A_105 = tpu.vector_load_idx %arg10[%get3A_104] : memref<10000xf32, #tpu.memory_space<vmem>>[vector<16xi32>], vector<16xf32>,
    %swap3A_106 = arith.constant 0 : i32
    %swap3A_107 = arith.index_cast %swap3A_106 : i32 to index
    %swap3A_108 = arith.constant 64 : index
    %swap3A_109 = tpu.vector_load %arg13[%swap3A_107, %swap3A_108] {strides = array<i32>} : memref<2x128xf32, #tpu.memory_space<vmem>>, vector<16xf32>,
    tpu.vector_store %arg13[%swap3A_107, %swap3A_108], %gather3A_105 {strides = array<i32>} : memref<2x128xf32, #tpu.memory_space<vmem>>, vector<16xf32>,
    %gather3A_110 = tpu.vector_load_idx %arg11[%get3A_104] : memref<10000xf32, #tpu.memory_space<vmem>>[vector<16xi32>], vector<16xf32>,
    %swap3A_111 = arith.constant 1 : i32
    %swap3A_112 = arith.index_cast %swap3A_111 : i32 to index
    %swap3A_113 = arith.constant 64 : index
    %swap3A_114 = tpu.vector_load %arg13[%swap3A_112, %swap3A_113] {strides = array<i32>} : memref<2x128xf32, #tpu.memory_space<vmem>>, vector<16xf32>,
    tpu.vector_store %arg13[%swap3A_112, %swap3A_113], %gather3A_110 {strides = array<i32>} : memref<2x128xf32, #tpu.memory_space<vmem>>, vector<16xf32>,
    %get3A_115 = arith.constant 80 : index
    %get3A_116 = tpu.vector_load %arg12[%get3A_115] {strides = array<i32>} : memref<128xi32, #tpu.memory_space<vmem>>, vector<16xi32>,
    %gather3A_117 = tpu.vector_load_idx %arg10[%get3A_116] : memref<10000xf32, #tpu.memory_space<vmem>>[vector<16xi32>], vector<16xf32>,
    %swap3A_118 = arith.constant 0 : i32
    %swap3A_119 = arith.index_cast %swap3A_118 : i32 to index
    %swap3A_120 = arith.constant 80 : index
    %swap3A_121 = tpu.vector_load %arg13[%swap3A_119, %swap3A_120] {strides = array<i32>} : memref<2x128xf32, #tpu.memory_space<vmem>>, vector<16xf32>,
    tpu.vector_store %arg13[%swap3A_119, %swap3A_120], %gather3A_117 {strides = array<i32>} : memref<2x128xf32, #tpu.memory_space<vmem>>, vector<16xf32>,
    %gather3A_122 = tpu.vector_load_idx %arg11[%get3A_116] : memref<10000xf32, #tpu.memory_space<vmem>>[vector<16xi32>], vector<16xf32>,
    %swap3A_123 = arith.constant 1 : i32
    %swap3A_124 = arith.index_cast %swap3A_123 : i32 to index
    %swap3A_125 = arith.constant 80 : index
    %swap3A_126 = tpu.vector_load %arg13[%swap3A_124, %swap3A_125] {strides = array<i32>} : memref<2x128xf32, #tpu.memory_space<vmem>>, vector<16xf32>,
    tpu.vector_store %arg13[%swap3A_124, %swap3A_125], %gather3A_122 {strides = array<i32>} : memref<2x128xf32, #tpu.memory_space<vmem>>, vector<16xf32>,
    %get3A_127 = arith.constant 96 : index
    %get3A_128 = tpu.vector_load %arg12[%get3A_127] {strides = array<i32>} : memref<128xi32, #tpu.memory_space<vmem>>, vector<16xi32>,
    %gather3A_129 = tpu.vector_load_idx %arg10[%get3A_128] : memref<10000xf32, #tpu.memory_space<vmem>>[vector<16xi32>], vector<16xf32>,
    %swap3A_130 = arith.constant 0 : i32
    %swap3A_131 = arith.index_cast %swap3A_130 : i32 to index
    %swap3A_132 = arith.constant 96 : index
    %swap3A_133 = tpu.vector_load %arg13[%swap3A_131, %swap3A_132] {strides = array<i32>} : memref<2x128xf32, #tpu.memory_space<vmem>>, vector<16xf32>,
    tpu.vector_store %arg13[%swap3A_131, %swap3A_132], %gather3A_129 {strides = array<i32>} : memref<2x128xf32, #tpu.memory_space<vmem>>, vector<16xf32>,
    %gather3A_134 = tpu.vector_load_idx %arg11[%get3A_128] : memref<10000xf32, #tpu.memory_space<vmem>>[vector<16xi32>], vector<16xf32>,
    %swap3A_135 = arith.constant 1 : i32
    %swap3A_136 = arith.index_cast %swap3A_135 : i32 to index
    %swap3A_137 = arith.constant 96 : index
    %swap3A_138 = tpu.vector_load %arg13[%swap3A_136, %swap3A_137] {strides = array<i32>} : memref<2x128xf32, #tpu.memory_space<vmem>>, vector<16xf32>,
    tpu.vector_store %arg13[%swap3A_136, %swap3A_137], %gather3A_134 {strides = array<i32>} : memref<2x128xf32, #tpu.memory_space<vmem>>, vector<16xf32>,
    %get3A_139 = arith.constant 112 : index
    %get3A_140 = tpu.vector_load %arg12[%get3A_139] {strides = array<i32>} : memref<128xi32, #tpu.memory_space<vmem>>, vector<16xi32>,
    %gather3A_141 = tpu.vector_load_idx %arg10[%get3A_140] : memref<10000xf32, #tpu.memory_space<vmem>>[vector<16xi32>], vector<16xf32>,
    %swap3A_142 = arith.constant 0 : i32
    %swap3A_143 = arith.index_cast %swap3A_142 : i32 to index
    %swap3A_144 = arith.constant 112 : index
    %swap3A_145 = tpu.vector_load %arg13[%swap3A_143, %swap3A_144] {strides = array<i32>} : memref<2x128xf32, #tpu.memory_space<vmem>>, vector<16xf32>,
    tpu.vector_store %arg13[%swap3A_143, %swap3A_144], %gather3A_141 {strides = array<i32>} : memref<2x128xf32, #tpu.memory_space<vmem>>, vector<16xf32>,
    %gather3A_146 = tpu.vector_load_idx %arg11[%get3A_140] : memref<10000xf32, #tpu.memory_space<vmem>>[vector<16xi32>], vector<16xf32>,
    %swap3A_147 = arith.constant 1 : i32
    %swap3A_148 = arith.index_cast %swap3A_147 : i32 to index
    %swap3A_149 = arith.constant 112 : index
    %swap3A_150 = tpu.vector_load %arg13[%swap3A_148, %swap3A_149] {strides = array<i32>} : memref<2x128xf32, #tpu.memory_space<vmem>>, vector<16xf32>,
    tpu.vector_store %arg13[%swap3A_148, %swap3A_149], %gather3A_146 {strides = array<i32>} : memref<2x128xf32, #tpu.memory_space<vmem>>, vector<16xf32>,
    "tpu.region"() ({
      %run_scoped3A = tpu.sem_alloc : memref<!tpu.dma_semaphore, #tpu.memory_space<semaphore_mem>>
      %dma_start3A_151 = arith.constant 0 : i32
      %dma_start3A_152 = arith.constant 0 : i32
      %dma_start3A_153 = tpu.memref_slice %arg6[%add3A, %dma_start3A_151, %dma_start3A_152] : memref<32x2x128xf32, #tpu.memory_space<hbm>> -> memref<1x2x128xf32, #tpu.memory_space<hbm>>
      %dma_start3A_154 = tpu.memref_squeeze %dma_start3A_153 : memref<1x2x128xf32, #tpu.memory_space<hbm>> -> memref<2x128xf32, #tpu.memory_space<hbm>>
      %dma_start3A_155 = arith.constant 0 : i32
      %dma_start3A_156 = arith.constant 0 : i32
      %dma_start3A_157 = tpu.memref_slice %arg6[%add3A, %dma_start3A_155, %dma_start3A_156] : memref<32x2x128xf32, #tpu.memory_space<hbm>> -> memref<1x2x128xf32, #tpu.memory_space<hbm>>
      %dma_start3A_158 = tpu.memref_squeeze %dma_start3A_157 : memref<1x2x128xf32, #tpu.memory_space<hbm>> -> memref<2x128xf32, #tpu.memory_space<hbm>>
      tpu.enqueue_dma source(%arg13 : memref<2x128xf32, #tpu.memory_space<vmem>>) target(%dma_start3A_158 : memref<2x128xf32, #tpu.memory_space<hbm>>) target_semaphore(%run_scoped3A : memref<!tpu.dma_semaphore, #tpu.memory_space<semaphore_mem>>)
      %dma_wait3A_159 = arith.constant 0 : i32
      %dma_wait3A_160 = arith.constant 0 : i32
      %dma_wait3A_161 = tpu.memref_slice %arg6[%add3A, %dma_wait3A_159, %dma_wait3A_160] : memref<32x2x128xf32, #tpu.memory_space<hbm>> -> memref<1x2x128xf32, #tpu.memory_space<hbm>>
      %dma_wait3A_162 = tpu.memref_squeeze %dma_wait3A_161 : memref<1x2x128xf32, #tpu.memory_space<hbm>> -> memref<2x128xf32, #tpu.memory_space<hbm>>
      %dma_wait3A_163 = arith.constant 0 : i32
      %dma_wait3A_164 = arith.constant 0 : i32
      %dma_wait3A_165 = tpu.memref_slice %arg6[%add3A, %dma_wait3A_163, %dma_wait3A_164] : memref<32x2x128xf32, #tpu.memory_space<hbm>> -> memref<1x2x128xf32, #tpu.memory_space<hbm>>
      %dma_wait3A_166 = tpu.memref_squeeze %dma_wait3A_165 : memref<1x2x128xf32, #tpu.memory_space<hbm>> -> memref<2x128xf32, #tpu.memory_space<hbm>>
      tpu.wait_dma2 semaphore(%run_scoped3A : memref<!tpu.dma_semaphore, #tpu.memory_space<semaphore_mem>>) src(%arg13 : memref<2x128xf32, #tpu.memory_space<vmem>>) dst(%dma_wait3A_166 : memref<2x128xf32, #tpu.memory_space<hbm>>)
      tpu.yield
    }) : () -> ()
    return
  }
}

module attributes {stable_mosaic.version = 14 : i64} {
  func.func @_err_node_body(%arg0: i32, %arg1: memref<1024x128xf32, #tpu.memory_space<vmem>>, %arg2: memref<1024x128xf32, #tpu.memory_space<vmem>>, %arg3: memref<128x128xf32, #tpu.memory_space<vmem>>, %arg4: memref<1x128xf32, #tpu.memory_space<vmem>>, %arg5: memref<8x128xf32, #tpu.memory_space<vmem>>) attributes {dimension_semantics = [#tpu.dimension_semantics<arbitrary>], iteration_bounds = array<i64: 10>, scalar_prefetch = 0 : i64, scratch_operands = 0 : i64, tpu.core_type = #tpu.core_type<tc>, window_params = [{transform_indices = @transform_0, window_bounds = array<i64: 1024, 128>}, {transform_indices = @transform_1, window_bounds = array<i64: 1024, 128>}, {pipeline_mode = #tpu.pipeline_mode<synchronous>, transform_indices = @transform_2, window_bounds = array<i64: 128, 128>}, {pipeline_mode = #tpu.pipeline_mode<synchronous>, transform_indices = @transform_3, window_bounds = array<i64: 1, 128>}, {transform_indices = @transform_4, window_bounds = array<i64: 8, 128>}]} {
    %get3A = arith.constant 0 : index
    %get3A_0 = arith.constant 0 : index
    %get3A_1 = vector.load %arg1[%get3A, %get3A_0] : memref<1024x128xf32, #tpu.memory_space<vmem>>, vector<1024x128xf32>
    %get3A_2 = arith.constant 0 : index
    %get3A_3 = arith.constant 0 : index
    %get3A_4 = vector.load %arg3[%get3A_2, %get3A_3] : memref<128x128xf32, #tpu.memory_space<vmem>>, vector<128x128xf32>
    %dot_general3A = arith.constant dense<0.000000e+00> : vector<1024x128xf32>
    %dot_general3A_5 = tpu.matmul %get3A_1, %get3A_4, %dot_general3A {dimension_numbers = #tpu.dot_dimension_numbers<[1], [0], [0], [1], [0, 0, 1, 1], [], []>, transpose_lhs_hint = false} : vector<1024x128xf32>, vector<128x128xf32>, vector<1024x128xf32> -> vector<1024x128xf32>
    %get3A_6 = arith.constant 0 : index
    %get3A_7 = arith.constant 0 : index
    %get3A_8 = vector.load %arg4[%get3A_6, %get3A_7] : memref<1x128xf32, #tpu.memory_space<vmem>>, vector<1x128xf32>
    %add3A = vector.broadcast %get3A_8 : vector<1x128xf32> to vector<1024x128xf32>
    %add3A_9 = arith.addf %dot_general3A_5, %add3A : vector<1024x128xf32>
    %get3A_10 = arith.constant 0 : index
    %get3A_11 = arith.constant 0 : index
    %get3A_12 = vector.load %arg2[%get3A_10, %get3A_11] : memref<1024x128xf32, #tpu.memory_space<vmem>>, vector<1024x128xf32>
    %sub3A = arith.subf %add3A_9, %get3A_12 : vector<1024x128xf32>
    %mul3A = arith.mulf %sub3A, %sub3A : vector<1024x128xf32>
    %reduce_sum3A = arith.constant dense<0.000000e+00> : vector<1024xf32>
    %reduce_sum3A_13 = vector.multi_reduction <add>, %mul3A, %reduce_sum3A [1] : vector<1024x128xf32> to vector<1024xf32>
    %div3A = arith.constant 1.280000e+02 : f32
    %div3A_14 = vector.broadcast %div3A : f32 to vector<1024xf32>
    %div3A_15 = arith.divf %reduce_sum3A_13, %div3A_14 : vector<1024xf32>
    %reshape3A = vector.shape_cast %div3A_15 : vector<1024xf32> to vector<8x128xf32>
    %swap3A = arith.constant 0 : index
    %swap3A_16 = arith.constant 0 : index
    %swap3A_17 = vector.load %arg5[%swap3A, %swap3A_16] : memref<8x128xf32, #tpu.memory_space<vmem>>, vector<8x128xf32>
    tpu.vector_store %arg5[%swap3A, %swap3A_16], %reshape3A {strides = array<i32>} : memref<8x128xf32, #tpu.memory_space<vmem>>, vector<8x128xf32>,
    return
  }
  func.func @transform_0(%arg0: i32) -> (i32, i32) {
    %c0_i32 = arith.constant 0 : i32
    %c0_i32_0 = arith.constant 0 : i32
    return %arg0, %c0_i32 : i32, i32
  }
  func.func @transform_1(%arg0: i32) -> (i32, i32) {
    %c0_i32 = arith.constant 0 : i32
    %c0_i32_0 = arith.constant 0 : i32
    return %arg0, %c0_i32 : i32, i32
  }
  func.func @transform_2(%arg0: i32) -> (i32, i32) {
    %c0_i32 = arith.constant 0 : i32
    %c0_i32_0 = arith.constant 0 : i32
    %c0_i32_1 = arith.constant 0 : i32
    return %c0_i32, %c0_i32_0 : i32, i32
  }
  func.func @transform_3(%arg0: i32) -> (i32, i32) {
    %c0_i32 = arith.constant 0 : i32
    %c0_i32_0 = arith.constant 0 : i32
    %c0_i32_1 = arith.constant 0 : i32
    return %c0_i32, %c0_i32_0 : i32, i32
  }
  func.func @transform_4(%arg0: i32) -> (i32, i32) {
    %c0_i32 = arith.constant 0 : i32
    %c0_i32_0 = arith.constant 0 : i32
    return %arg0, %c0_i32 : i32, i32
  }
}

module attributes {stable_mosaic.version = 14 : i64} {
  func.func @_final_body(%arg0: memref<32x2x128xf32, #tpu.memory_space<vmem>>, %arg1: memref<1x128xf32, #tpu.memory_space<vmem>>) attributes {dimension_semantics = [], scalar_prefetch = 0 : i64, scratch_operands = 0 : i64, tpu.core_type = #tpu.core_type<tc>} {
    %get3A = arith.constant 0 : index
    %get3A_0 = arith.constant 0 : index
    %get3A_1 = arith.constant 0 : index
    %get3A_2 = vector.load %arg0[%get3A, %get3A_0, %get3A_1] : memref<32x2x128xf32, #tpu.memory_space<vmem>>, vector<32x2x128xf32>
    %slice3A = vector.extract_strided_slice %get3A_2 {offsets = [0, 0, 0], sizes = [32, 1, 128], strides = [1, 1, 1]} : vector<32x2x128xf32> to vector<32x1x128xf32>
    %squeeze3A = vector.shape_cast %slice3A : vector<32x1x128xf32> to vector<32x128xf32>
    %reduce_sum3A = arith.constant dense<0.000000e+00> : vector<128xf32>
    %reduce_sum3A_3 = vector.multi_reduction <add>, %squeeze3A, %reduce_sum3A [0] : vector<32x128xf32> to vector<128xf32>
    %broadcast_in_dim3A = vector.shape_cast %reduce_sum3A_3 : vector<128xf32> to vector<1x128xf32>
    %slice3A_4 = vector.extract_strided_slice %get3A_2 {offsets = [0, 1, 0], sizes = [32, 1, 128], strides = [1, 1, 1]} : vector<32x2x128xf32> to vector<32x1x128xf32>
    %squeeze3A_5 = vector.shape_cast %slice3A_4 : vector<32x1x128xf32> to vector<32x128xf32>
    %reduce_sum3A_6 = arith.constant dense<0.000000e+00> : vector<128xf32>
    %reduce_sum3A_7 = vector.multi_reduction <add>, %squeeze3A_5, %reduce_sum3A_6 [0] : vector<32x128xf32> to vector<128xf32>
    %broadcast_in_dim3A_8 = vector.shape_cast %reduce_sum3A_7 : vector<128xf32> to vector<1x128xf32>
    %max3A = arith.constant 1.000000e+00 : f32
    %max3A_9 = vector.broadcast %max3A : f32 to vector<1x128xf32>
    %max3A_10 = arith.maximumf %broadcast_in_dim3A_8, %max3A_9 : vector<1x128xf32>
    %div3A = arith.divf %broadcast_in_dim3A, %max3A_10 : vector<1x128xf32>
    %reduce_sum3A_11 = vector.shape_cast %div3A : vector<1x128xf32> to vector<1x1x128xf32>
    %reduce_sum3A_12 = arith.constant dense<0.000000e+00> : vector<1xf32>
    %reduce_sum3A_13 = vector.multi_reduction <add>, %reduce_sum3A_11, %reduce_sum3A_12 [1, 2] : vector<1x1x128xf32> to vector<1xf32>
    %reduce_sum3A_14 = vector.shape_cast %reduce_sum3A_13 : vector<1xf32> to vector<1x1x1xf32>
    %reduce_sum3A_15 = vector.extract %reduce_sum3A_14[0, 0, 0] : f32 from vector<1x1x1xf32>
    %mul3A = arith.constant 7.812500e-03 : f32
    %mul3A_16 = arith.mulf %reduce_sum3A_15, %mul3A : f32
    %reduce_sum3A_17 = vector.shape_cast %broadcast_in_dim3A_8 : vector<1x128xf32> to vector<1x1x128xf32>
    %reduce_sum3A_18 = arith.constant dense<0.000000e+00> : vector<1xf32>
    %reduce_sum3A_19 = vector.multi_reduction <add>, %reduce_sum3A_17, %reduce_sum3A_18 [1, 2] : vector<1x1x128xf32> to vector<1xf32>
    %reduce_sum3A_20 = vector.shape_cast %reduce_sum3A_19 : vector<1xf32> to vector<1x1x1xf32>
    %reduce_sum3A_21 = vector.extract %reduce_sum3A_20[0, 0, 0] : f32 from vector<1x1x1xf32>
    %reduce_sum3A_22 = vector.shape_cast %broadcast_in_dim3A : vector<1x128xf32> to vector<1x1x128xf32>
    %reduce_sum3A_23 = arith.constant dense<0.000000e+00> : vector<1xf32>
    %reduce_sum3A_24 = vector.multi_reduction <add>, %reduce_sum3A_22, %reduce_sum3A_23 [1, 2] : vector<1x1x128xf32> to vector<1xf32>
    %reduce_sum3A_25 = vector.shape_cast %reduce_sum3A_24 : vector<1xf32> to vector<1x1x1xf32>
    %reduce_sum3A_26 = vector.extract %reduce_sum3A_25[0, 0, 0] : f32 from vector<1x1x1xf32>
    %div3A_27 = arith.divf %reduce_sum3A_26, %reduce_sum3A_21 : f32
    %reduce_max3A = vector.shape_cast %broadcast_in_dim3A_8 : vector<1x128xf32> to vector<1x1x128xf32>
    %reduce_max3A_28 = arith.constant dense<0xFF800000> : vector<1xf32>
    %reduce_max3A_29 = vector.multi_reduction <maximumf>, %reduce_max3A, %reduce_max3A_28 [1, 2] : vector<1x1x128xf32> to vector<1xf32>
    %reduce_max3A_30 = vector.shape_cast %reduce_max3A_29 : vector<1xf32> to vector<1x1x1xf32>
    %reduce_max3A_31 = vector.extract %reduce_max3A_30[0, 0, 0] : f32 from vector<1x1x1xf32>
    %iota3A = tpu.iota {dimensions = array<i32: 1>} : vector<1x128xi32>
    %eq3A = arith.constant 0 : i32
    %eq3A_32 = vector.broadcast %eq3A : i32 to vector<1x128xi32>
    %eq3A_33 = arith.cmpi eq, %iota3A, %eq3A_32 : vector<1x128xi32>
    %eq3A_34 = arith.constant 1 : i32
    %eq3A_35 = vector.broadcast %eq3A_34 : i32 to vector<1x128xi32>
    %eq3A_36 = arith.cmpi eq, %iota3A, %eq3A_35 : vector<1x128xi32>
    %eq3A_37 = arith.constant 2 : i32
    %eq3A_38 = vector.broadcast %eq3A_37 : i32 to vector<1x128xi32>
    %eq3A_39 = arith.cmpi eq, %iota3A, %eq3A_38 : vector<1x128xi32>
    %broadcast_in_dim3A_40 = vector.broadcast %div3A_27 : f32 to vector<1x128xf32>
    %broadcast_in_dim3A_41 = vector.broadcast %reduce_max3A_31 : f32 to vector<1x128xf32>
    %select_n3A = arith.select %eq3A_39, %broadcast_in_dim3A_40, %broadcast_in_dim3A_41 : vector<1x128xi1>, vector<1x128xf32>
    %broadcast_in_dim3A_42 = vector.broadcast %reduce_sum3A_21 : f32 to vector<1x128xf32>
    %select_n3A_43 = arith.select %eq3A_36, %broadcast_in_dim3A_42, %select_n3A : vector<1x128xi1>, vector<1x128xf32>
    %broadcast_in_dim3A_44 = vector.broadcast %mul3A_16 : f32 to vector<1x128xf32>
    %select_n3A_45 = arith.select %eq3A_33, %broadcast_in_dim3A_44, %select_n3A_43 : vector<1x128xi1>, vector<1x128xf32>
    %swap3A = arith.constant 0 : index
    %swap3A_46 = arith.constant 0 : index
    %swap3A_47 = vector.load %arg1[%swap3A, %swap3A_46] : memref<1x128xf32, #tpu.memory_space<vmem>>, vector<1x128xf32>
    tpu.vector_store %arg1[%swap3A, %swap3A_46], %select_n3A_45 {strides = array<i32>} : memref<1x128xf32, #tpu.memory_space<vmem>>, vector<1x128xf32>,
    return
  }
}

</mosaic_0001>

<sc_bundles>
// kernel: kernel.5.cloned.1.call-start
scs
__scs_entry_jumppad:
0x0: {  	(pc) =	sbr.rel $0x88, $3  }
0x1: {  	(tag) =	ssettag $0x0;
	lr =	simm.s32 $0x1  }
0x2: {  	[smem:$0x3F9B] =	sst lr;
	_ =	strace $0xD0000000  }
0x3: {  	_ = 	snop  }
0x4: {  	_ = 	snop  }
0x5: {  	_ = 	snop  }
0x6: {  	_ = 	snop  }
0x7: {  	_ = 	snop  }
__scs_overlays_trampoline_lowered:
0x8: {  	[smem:$0x3FAA] =	sst s0  }
0x9: {  	[smem:$0x3FAB] =	sst s1  }
0xa: {  	[smem:$0x3FAC] =	sst s2  }
0xb: {  	[smem:$0x3FAD] =	sst s3  }
0xc: {  	[smem:$0x3FAE] =	sst s4  }
0xd: {  	[smem:$0x3FAF] =	sst s5  }
0xe: {  	[smem:$0x3FB0] =	sst s6  }
0xf: {  	[smem:$0x3FB1] =	sst s7  }
0x10: {  	[smem:$0x3FB2] =	sst s8  }
0x11: {  	[smem:$0x3FB3] =	sst s9;
	s0 =	simm.s32 @!p0 $0x0  }
0x12: {  	s1 =	sld [smem:$0x3F99];
	s0 =	simm.s32 @p0 $0x1  }
0x13: {  	[smem:$0x3FB4] =	sst s0;
	s0 =	simm.s32 @!p1 $0x0  }
0x14: {  	s2 =	sld [smem:$0x3F98];
	s0 =	simm.s32 @p1 $0x1  }
0x15: {  	[smem:$0x3FB5] =	sst s0;
	s0 =	simm.s32 @!p2 $0x0  }
0x16: {  	s3 =	sld [smem:$0x3FDB];
	s0 =	simm.s32 @p2 $0x1  }
0x17: {  	s4 =	simm.s32 $0x1BF5;
	[smem:$0x3FB7] =	sst s0  }
0x18: {  	s0 =	sld [smem:$0x3F9A];
	_ =	swait.ge [sflag:s4], $0x0  }
0x19: {  	s7 =	sld [smem:$0x3F9B]  }
0x1a: {  	s8 =	sadd.s32 $0xFFFFE003, lr  }
0x1b: {  	s9 =	sadd.s32 $0xFFFFFEF7, lr;
	s5 =	simm.s32 $0xFFFFFFFF;
	p2 =	slt.u32 s8, $0xFFFFF086  }
0x1c: {  	p1 =	slt.u32 s9, $0xF7A;
	s5 =	simm.s32 @!p2 $0x0  }
0x1d: {  	s5 =	simm.s32 @p1 $0x1;
	p0 =	seq.s32 s7, s2  }
0x1e: {  	s7 =	smul.u32 @!p0 $0xF7A, s2;
	p2 =	seq.s32 @!p0 s5, $0x0  }
0x1f: {  	s9 =	smul.u32 $0xF7A, s1;
	s8 =	simm.s32 @!p0 $0x1BF5;
	p2 =	por !p2, p0  }
0x20: {  	[sflag:s8] =	ssyncset.s32 @!p0 $0xFFFFF086;
	s6 =	sadd.s32 @!p0 s3, s7;
	s7 =	simm.s32 @!p0 $0x108  }
0x21: {  	s3 =	sadd.s32 s3, s9;
	s6 =	sadd.s32 @!p0 $0x88, s6;
	s7 =	simm.s32 @p2 $0x1082  }
0x22: {  	[simem:s7], [sflag:s8] =	dma.local @!p0 [hbm:s6], $0xF7A  }
0x23: {  	s9 =	sor.u32 $0xD0000000, s2;
	s6 =	simm.s32 $0x108;
	_ =	swait.ge @!p0 [sflag:s8], $0x0  }
0x24: {  	s3 =	sadd.s32 $0x88, s3;
	s6 =	simm.s32 @!p1 $0x1082;
	[sflag:s4] =	ssyncset.s32 $0xFFFFF086  }
0x25: {  	[simem:s6], [sflag:s4] =	dma.local [hbm:s3], $0xF7A  }
0x26: {  	[smem:$0x3F9B] =	sst s1;
	(tag) =	ssettag s2;
	_ =	strace s9  }
0x27: {  	s1 =	sld [smem:$0x3FAB]  }
0x28: {  	s2 =	sld [smem:$0x3FAC]  }
0x29: {  	s4 =	sld [smem:$0x3FAE]  }
0x2a: {  	p0 =	seq.s32 s5, $0x0;
	s5 =	sld [smem:$0x3FAF]  }
0x2b: {  	s6 =	sld [smem:$0x3FB0]  }
0x2c: {  	s7 =	sld [smem:$0x3FB1]  }
0x2d: {  	s3 =	simm.s32 $0x108;
	s8 =	sld [smem:$0x3FB2]  }
0x2e: {  	s3 =	simm.s32 @!p0 $0x1082;
	s9 =	sld [smem:$0x3FB3]  }
0x2f: {  	lr =	sadd.s32 s0, s3;
	s0 =	sld [smem:$0x3FAA]  }
0x30: {  	s3 =	sld [smem:$0x3FAD]  }
0x31: {  	[smem:$0x3FB6] =	sst s10  }
0x32: {  	s10 =	sld [smem:$0x3FB4];
	_ =	sdelay $0x3  }
0x33: {  	p0 =	seq.s32 s10, $0x1;
	s10 =	sld [smem:$0x3FB6];
	_ =	sdelay $0x3  }
0x34: {  	[smem:$0x3FB6] =	sst s10  }
0x35: {  	s10 =	sld [smem:$0x3FB5];
	_ =	sdelay $0x3  }
0x36: {  	p1 =	seq.s32 s10, $0x1;
	s10 =	sld [smem:$0x3FB6];
	_ =	sdelay $0x3  }
0x37: {  	[smem:$0x3FB6] =	sst s10  }
0x38: {  	s10 =	sld [smem:$0x3FB7]  }
0x39: {  	_ = 	snop;
	(pc) =	sbr.ind lr, $3  }
0x3a: {  	_ = 	snop  }
0x3b: {  	_ = 	snop  }
0x3c: {  	p2 =	seq.s32 s10, $0x1;
	s10 =	sld [smem:$0x3FB6]  }
0x3d: {  	_ =	shalt  }
0x3e: {  	_ =	shalt  }
0x3f: {  	_ =	shalt  }
0x40: {  	_ =	shalt  }
0x41: {  	_ =	shalt  }
0x42: {  	_ =	shalt  }
0x43: {  	_ =	shalt  }
0x44: {  	_ =	shalt  }
0x45: {  	_ =	shalt  }
0x46: {  	_ =	shalt  }
0x47: {  	_ =	shalt  }
0x48: {  	_ =	shalt  }
0x49: {  	_ =	shalt  }
0x4a: {  	_ =	shalt  }
0x4b: {  	_ =	shalt  }
0x4c: {  	_ =	shalt  }
0x4d: {  	_ =	shalt  }
0x4e: {  	_ =	shalt  }
0x4f: {  	_ =	shalt  }
0x50: {  	_ =	shalt  }
0x51: {  	_ =	shalt  }
0x52: {  	_ =	shalt  }
0x53: {  	_ =	shalt  }
0x54: {  	_ =	shalt  }
0x55: {  	_ =	shalt  }
0x56: {  	_ =	shalt  }
0x57: {  	_ =	shalt  }
0x58: {  	_ =	shalt  }
0x59: {  	_ =	shalt  }
0x5a: {  	_ =	shalt  }
0x5b: {  	_ =	shalt  }
0x5c: {  	_ =	shalt  }
0x5d: {  	_ =	shalt  }
0x5e: {  	_ =	shalt  }
0x5f: {  	_ =	shalt  }
0x60: {  	_ =	shalt  }
0x61: {  	_ =	shalt  }
0x62: {  	_ =	shalt  }
0x63: {  	_ =	shalt  }
0x64: {  	_ =	shalt  }
0x65: {  	_ =	shalt  }
0x66: {  	_ =	shalt  }
0x67: {  	_ =	shalt  }
0x68: {  	_ =	shalt  }
0x69: {  	_ =	shalt  }
0x6a: {  	_ =	shalt  }
0x6b: {  	_ =	shalt  }
0x6c: {  	_ =	shalt  }
0x6d: {  	_ =	shalt  }
0x6e: {  	_ =	shalt  }
0x6f: {  	_ =	shalt  }
0x70: {  	_ =	shalt  }
0x71: {  	_ =	shalt  }
0x72: {  	_ =	shalt  }
0x73: {  	_ =	shalt  }
0x74: {  	_ =	shalt  }
0x75: {  	_ =	shalt  }
0x76: {  	_ =	shalt  }
0x77: {  	_ =	shalt  }
0x78: {  	_ =	shalt  }
0x79: {  	_ =	shalt  }
0x7a: {  	_ =	shalt  }
0x7b: {  	_ =	shalt  }
0x7c: {  	_ =	shalt  }
0x7d: {  	_ =	shalt  }
0x7e: {  	_ =	shalt  }
0x7f: {  	_ =	shalt  }
0x80: {  	_ =	shalt  }
0x81: {  	_ =	shalt  }
0x82: {  	_ =	shalt  }
0x83: {  	_ =	shalt  }
0x84: {  	_ =	shalt  }
0x85: {  	_ =	shalt  }
0x86: {  	_ =	shalt  }
0x87: {  	_ =	shalt  }
.Lfunc_end0:
.L_simem_size_0:
called_computation_lowered:
.L_overlay_start_0:
0x88: {  	s2 =	sld [smem:$0x3FD9]  }
0x89: {  	s3 =	sld [smem:$0x3FFE];
	_ =	sdelay $0x1  }
0x8a: {  	s1 =	srdreg.scid  }
0x8b: {  	s0 =	sand.u32 $0x1, s1  }
0x8c: {  	s17 =	sshll.u32 s0, $0xA;
	s2 =	sadd.s32 s3, s2  }
0x8d: {  	s2 =	sadd.s32 s2, s17  }
0x8e: {  	[smem:$0x3FC2] =	sst s2  }
0x8f: {  	_ = 	snop  }
0x90: {  	s2 =	sld [smem:$0x3FC7];
	(tm) =	ssettm $0x1  }
0x91: {  	s18 =	sld [smem:$0x3FFB];
	_ =	sdelay $0x3  }
0x92: {  	_ =	strace s18  }
0x93: {  	s3 =	sld [smem:$0x3FFC];
	_ =	sdelay $0x3  }
0x94: {  	_ =	strace s3  }
0x95: {  	s3 =	sld [smem:$0x3FFD];
	_ =	sdelay $0x3  }
0x96: {  	_ =	strace s3  }
0x97: {  	_ =	strace $0x8FFFFFFF  }
0x98: {  	s19 =	sld [smem:$0x3FDB];
	_ =	sdelay $0x1  }
0x99: {  	s4 =	simm.s32 $_scs_section_size  }
0x9a: {  	s5 =	simm.s32 $_size__tile_overlayer_lowered;
	s6 =	simm.s32 $_tile_overlayer_lowered  }
0x9b: {  	s22 =	simm.s32 $0x1BFF;
	s21 =	sshll.u32 s6, $0x1;
	s3 =	sadd.s32 s4, s19  }
0x9c: {  	s7 =	simm.s32 $0x0;
	s20 =	sshll.u32 s5, $0x1;
	s5 =	sadd.s32 s21, s3  }
0x9d: {  	[timem:s7], [sflag:s22] =	dma.local [hbm:s5], s20  }
0x9e: {  	_ =	swait.ge [sflag:s22], s20  }
0x9f: {  	s4 =	ssub.s32 $0x0, s20;
	[sflag:s22] =	ssyncset.done $0x0  }
0xa0: {  	[sflag:s22] =	ssyncadd.s32 s4;
	_ =	sdelay $0x1  }
0xa1: {  	s23 =	simm.s32 $0x1B8B  }
0xa2: {  	_ =	swait.ge [sflag:s23], $0x1  }
0xa3: {  	[sflag:s23] =	ssyncset.done $0x0  }
0xa4: {  	s25 =	simm.s32 $0x1B8E;
	s24 =	sld [smem:$0x3FFE];
	[sflag:s23] =	ssyncadd.s32 $0xFFFFFFFF  }
0xa5: {  	s26 =	simm.s32 $execute0_lowered;
	[smem:$0x3FD2] =	sst s25  }
0xa6: {  	s5 =	sshll.u32 s26, $0x1;
	_ =	strace $0x80000046;
	[dreg:$0x1] =	wrdreg $0xFFFFFFFF  }
0xa7: {  	s28 =	simm.s32 $_size_execute0_lowered;
	s3 =	sadd.s32 s3, s5;
	[dreg:$0x0] =	wrdreg $0x0  }
0xa8: {  	s5 =	sshll.u32 s28, $0x1;
	[dreg:$0x2] =	wrdreg s3  }
0xa9: {  	[dreg:$0x3] =	wrdreg s5  }
0xaa: {  	[dreg:$0x4] =	wrdreg $0xC0  }
0xab: {  	_ =	task [dreg:s7], $0x5FFFF  }
0xac: {  	[dreg:$0x1] =	wrdreg $0xFFFFFFFF  }
0xad: {  	[dreg:$0x0] =	wrdreg $0x60  }
0xae: {  	[dreg:$0x2] =	wrdreg s24  }
0xaf: {  	[dreg:$0x3] =	wrdreg s2  }
0xb0: {  	[dreg:$0x4] =	wrdreg $0x9  }
0xb1: {  	_ =	task.clear_ibuf [dreg:s7], $0x5FFFF;
	_ =	strace $0x90000046  }
0xb2: {  	s29 =	simm.s32 $0x9;
	_ =	strace $0x80000048  }
0xb3: {  	_ =	swait.ge [sflag:s29], $0x1  }
0xb4: {  	[sflag:s29] =	ssyncadd.s32 $0xFFFFFFFF  }
0xb5: {  	_ =	strace $0x90000048  }
0xb6: {  	_ =	sfence  }
0xb7: {  	s30 =	sld [smem:$0x0];
	_ =	sdelay $0x2  }
0xb8: {  	s31 =	sshll.u32 s1, $0xD;
	s1 =	sshrl.u32 s1, $0x2  }
0xb9: {  	s3 =	sand.u32 $0x4000, s31;
	s1 =	sadd.s32 s1, s30  }
0xba: {  	s0 =	sor.u32 s3, s0;
	s1 =	sshll.u32 s1, $0x11  }
0xbb: {  	s0 =	sor.u32 s1, s0  }
0xbc: {  	s0 =	sadd.s32 $0x8F2B, s0  }
0xbd: {  	[sflag:s0] =	ssyncadd.remote.s32 $0x1  }
0xbe: {  	_ =	sfence.sel $0xFFFF  }
0xbf: {  	[dreg:$0x0] =	wrdreg $0xFFFFFFFF;
	(pc) =	sbr.abs _section_cstart, $3  }
0xc0: {  	[dreg:$0x1] =	wrdreg $0xFFFFFFFF  }
0xc1: {  	_ =	task.clear_ibuf [dreg:s7], $0x2FFFF;
	_ =	strace $0x9FFFFFFF  }
0xc2: {  	(tm) =	ssettm $0x7FFFFFFF  }
0xc3: {  	_ =	shalt  }
tec
execute0_lowered:
.L_overlay_start_1:
0x0: {  	(tag) =	ssettag $0x1  }
0x1: {  	s1 =	srdreg.scid;
	s5 =	rddreg [dreg:$0x0]  }
0x2: {  	s0 =	stileid.u32;
	s2 =	rddreg [dreg:$0x1]  }
0x3: {  	s3 =	simm.s32 $0x0;
	s11 =	simm.s32 $0x2780;
	s12 =	simm.s32 $0x4F00  }
0x4: {  	s13 =	simm.s32 $0xC600;
	s14 =	simm.s32 $0x1;
	s15 =	simm.s32 $0x9E80  }
0x5: {  	s16 =	simm.s32 $0x7700;
	s17 =	simm.s32 $0xC680;
	s18 =	simm.s32 $0x2  }
0x6: {  	s19 =	simm.s32 $0x0;
	s4 =	sand.u32 $0x1, s1;
	s29 =	sshll.u32 s0, $0x1  }
0x7: {  	s30 =	sshrl.u32 s0, $0x2;
	s1 =	rddreg [dreg:$0x2];
	s6 =	sor.u32 s4, s29  }
0x8: {  	[smem:$0x7FF] =	sst s3;
	s7 =	smul.u32 $0x13C00, s30;
	s8 =	sshll.u32 s6, $0x7  }
0x9: {  	_ =	strace $0x80000047;
	s31 =	ssub.s32 $0x2, s4;
	s8 =	sand.u32 $0x380, s8  }
.Ltmp0:
0xa: {  	s4 =	sadd.s32 $0x14600, s5;
	s7 =	sor.u32 s7, s8;
	(pc) =	sbr.rel .LBB2_1-.Ltmp0, $4  }
0xb: {  	s6 =	sshll.u32 s6, $0x5;
	s9 =	sshrl.u32 s31, $0x1;
	s7 =	sshrl.u32 s7, $0x3  }
0xc: {  	s10 =	sadd.s32 s6, s5;
	s8 =	ssub.s32 s31, s9;
	s7 =	sadd.s32 s7, s5  }
0xd: {  	s9 =	simm.s32 $0x80;
	s8 =	smax.u32 s8, $0x1;
	s5 =	sadd.s32 $0xA00, s7  }
0xe: {  	v0 =	vimm.f32 $0.0e+00;
	v1 =	vimm.f32 $1.000000000e+00;
	s6 =	sadd.s32 $0xA800, s7;
	s7 =	sadd.s32 $0x14C00, s10;
	s10 =	simm.s32 $0x400  }
.LBB2_33:
0xf: {  	v2 =	vld [tilespmem:$0xC600];
	_ =	sdelay $0x7  }
0x10: {  	v3 =	vld.idx.msk [tilespmem:v2+s16+$0x0], $0xffff;
	_ =	sdelay $0x3  }
0x11: {  	v4 =	vld [tilespmem:$0xC610]  }
0x12: {  	[tilespmem:$0xC680] =	vst v3  }
0x13: {  	v2 =	vld.idx.msk [tilespmem:v2+s15+$0x0], $0xffff;
	_ =	sdelay $0x4  }
0x14: {  	[tilespmem:$0xC700] =	vst v2  }
0x15: {  	v2 =	vld.idx.msk [tilespmem:v4+s16+$0x0], $0xffff;
	_ =	sdelay $0x3  }
0x16: {  	v3 =	vld [tilespmem:$0xC620]  }
0x17: {  	[tilespmem:$0xC690] =	vst v2  }
0x18: {  	v2 =	vld.idx.msk [tilespmem:v4+s15+$0x0], $0xffff;
	_ =	sdelay $0x4  }
0x19: {  	[tilespmem:$0xC710] =	vst v2  }
0x1a: {  	v2 =	vld.idx.msk [tilespmem:v3+s16+$0x0], $0xffff;
	_ =	sdelay $0x3  }
0x1b: {  	v61 =	vld [tilespmem:$0xC630]  }
0x1c: {  	[tilespmem:$0xC6A0] =	vst v2  }
0x1d: {  	v2 =	vld.idx.msk [tilespmem:v3+s15+$0x0], $0xffff;
	_ =	sdelay $0x4  }
0x1e: {  	[tilespmem:$0xC720] =	vst v2  }
0x1f: {  	v2 =	vld.idx.msk [tilespmem:v61+s16+$0x0], $0xffff;
	_ =	sdelay $0x3  }
0x20: {  	v3 =	vld [tilespmem:$0xC640]  }
0x21: {  	[tilespmem:$0xC6B0] =	vst v2  }
0x22: {  	v2 =	vld.idx.msk [tilespmem:v61+s15+$0x0], $0xffff;
	_ =	sdelay $0x4  }
0x23: {  	[tilespmem:$0xC730] =	vst v2  }
0x24: {  	v2 =	vld.idx.msk [tilespmem:v3+s16+$0x0], $0xffff;
	_ =	sdelay $0x3  }
0x25: {  	v62 =	vld [tilespmem:$0xC650]  }
0x26: {  	[tilespmem:$0xC6C0] =	vst v2  }
0x27: {  	v2 =	vld.idx.msk [tilespmem:v3+s15+$0x0], $0xffff;
	_ =	sdelay $0x4  }
0x28: {  	[tilespmem:$0xC740] =	vst v2  }
0x29: {  	v2 =	vld.idx.msk [tilespmem:v62+s16+$0x0], $0xffff;
	_ =	sdelay $0x3  }
0x2a: {  	v3 =	vld [tilespmem:$0xC660]  }
0x2b: {  	[tilespmem:$0xC6D0] =	vst v2  }
0x2c: {  	v2 =	vld.idx.msk [tilespmem:v62+s15+$0x0], $0xffff;
	_ =	sdelay $0x4  }
0x2d: {  	[tilespmem:$0xC750] =	vst v2  }
0x2e: {  	v2 =	vld.idx.msk [tilespmem:v3+s16+$0x0], $0xffff;
	_ =	sdelay $0x3  }
0x2f: {  	v63 =	vld [tilespmem:$0xC670]  }
0x30: {  	[tilespmem:$0xC6E0] =	vst v2  }
0x31: {  	v2 =	vld.idx.msk [tilespmem:v3+s15+$0x0], $0xffff;
	_ =	sdelay $0x4  }
0x32: {  	[tilespmem:$0xC760] =	vst v2  }
0x33: {  	v2 =	vld.idx.msk [tilespmem:v63+s16+$0x0], $0xffff;
	_ =	sdelay $0x4  }
0x34: {  	[tilespmem:$0xC6F0] =	vst v2  }
0x35: {  	v2 =	vld.idx.msk [tilespmem:v63+s15+$0x0], $0xffff;
	_ =	sdelay $0x2  }
0x36: {  	s19 =	sadd.s32 $0x1, s19  }
0x37: {  	p0 =	sne.s32 s19, s8  }
.Ltmp1:
0x38: {  	[tilespmem:$0xC770] =	vst v2;
	(pc) =	sbr.rel @!p0 .LBB2_34-.Ltmp1, $4  }
0x39: {  	[hbm4b:s7+s3] =	stream.linear.scatter [tilespmem:s17], [sflag:$0x2], $0x100, $0x38;
	[tilespmem:$0xC780] =	vst v63  }
0x3a: {  	_ =	swait.ge [sflag:s18], $0x100  }
0x3b: {  	[sflag:s18] =	ssyncset.done $0x0  }
0x3c: {  	[sflag:s18] =	ssyncadd.s32 $0xFFFFFF00  }
.LBB2_1:
0x3d: {  	[tilespmem:s3], [sflag:$0x1] =	stream.strided.gather [hbm4b:s5+s9], $0x2780, s10, s9, $0x38;
	[tilespmem:$0xC780] =	vst v63  }
0x3e: {  	_ = 	snop  }
0x3f: {  	[tilespmem:s11], [sflag:$0x1] =	stream.strided.gather [hbm4b:s6+s9], $0x2780, s10, s9, $0x38;
	[tilespmem:$0xC780] =	vst v63  }
0x40: {  	_ = 	snop  }
0x41: {  	[tilespmem:s12], [sflag:$0x1] =	stream.linear.gather [hbm4b:s4+s3], $0x2800, $0x38;
	[tilespmem:$0xC780] =	vst v63  }
0x42: {  	s20 =	simm.s32 $0x40;
	s21 =	simm.s32 $0x0  }
0x43: {  	[tilespmem:s13], [sflag:$0x1] =	stream.linear.gather [hbm4b:s2+s3], $0x80, $0x38;
	[tilespmem:$0xC780] =	vst v63  }
.LBB2_2:
0x44: {  	p0 =	sne.s32 s20, $0x9C00;
	[tilespmem:s21+$0x7700] =	vst v0;
	s22 =	smov.u32 s20;
	s20 =	sadd.s32 $0x40, s20  }
.Ltmp2:
0x45: {  	[tilespmem:s21+$0x9E80] =	vst v0;
	(pc) =	sbr.rel @p0 .LBB2_2-.Ltmp2, $2  }
0x46: {  	_ =	sdelay $0x2  }
0x47: {  	s21 =	sshra.s32 s22, $0x2  }
0x48: {  	[tilespmem:s21+$0x7700] =	vst v0  }
0x49: {  	[tilespmem:s21+$0x9E80] =	vst v0  }
0x4a: {  	_ =	swait.ge [sflag:s14], $0x2780  }
0x4b: {  	[sflag:s14] =	ssyncset.done $0x0  }
0x4c: {  	[sflag:s14] =	ssyncadd.s32 $0xFFFFD880  }
0x4d: {  	_ =	swait.ge [sflag:s14], $0x2780  }
0x4e: {  	[sflag:s14] =	ssyncset.done $0x0  }
0x4f: {  	[sflag:s14] =	ssyncadd.s32 $0xFFFFD880  }
0x50: {  	_ =	swait.ge [sflag:s14], $0x2800  }
.Ltmp3:
0x51: {  	[sflag:s14] =	ssyncset.done $0x0;
	(pc) =	sbr.rel .LBB2_4-.Ltmp3, $4  }
0x52: {  	[sflag:s14] =	ssyncadd.s32 $0xFFFFD800  }
0x53: {  	_ =	swait.ge [sflag:s14], $0x80  }
0x54: {  	[sflag:s14] =	ssyncset.done $0x0  }
0x55: {  	s20 =	simm.s32 $0x0;
	[sflag:s14] =	ssyncadd.s32 $0xFFFFFF80  }
.LBB2_29:
0x56: {  	s20 =	sadd.s32 $0x1, s20  }
0x57: {  	p0 =	sne.s32 s20, $0x4E  }
.Ltmp4:
0x58: {  	_ = 	snop;
	(pc) =	sbr.rel @!p0 .LBB2_30-.Ltmp4, $1  }
0x59: {  	_ =	sdelay $0x3  }
.LBB2_4:
0x5a: {  	s21 =	sshll.u32 s20, $0x7  }
0x5b: {  	v2 =	vld [tilespmem:s21+$0x0];
	_ =	sdelay $0x4  }
0x5c: {  	(xrf1) =	vunique.msk.u32 $0xffff, v2;
	_ =	sdelay $0x7  }
0x5d: {  	v3 =	vld [tilespmem:s21+$0x2780];
	_ =	sdelay $0x5  }
0x5e: {  	_, v4, vm0 =	vpop (xrf1);
	_ =	sdelay $0x1  }
0x5f: {  	v3 =	vld.idx.msk [tilespmem:v3+s12+$0x0], $0xffff;
	_ =	sdelay $0x1  }
0x60: {  	v4 =	vcvt.s32.f32 v4;
	_ =	sdelay $0x1  }
0x61: {  	[tilespmem:v2+s15+$0x0] =	vst.idx.add.f32.msk vm0, v4  }
0x62: {  	[tilespmem:v2+s16+$0x0] =	vst.idx.add.f32.msk vm0, v3  }
0x63: {  	v2 =	vld [tilespmem:s21+$0x10];
	_ =	sdelay $0x4  }
0x64: {  	(xrf1) =	vunique.msk.u32 $0xffff, v2;
	_ =	sdelay $0x7  }
0x65: {  	v3 =	vld [tilespmem:s21+$0x2790];
	_ =	sdelay $0x5  }
0x66: {  	_, v56, vm1 =	vpop (xrf1);
	_ =	sdelay $0x1  }
0x67: {  	v3 =	vld.idx.msk [tilespmem:v3+s12+$0x0], $0xffff;
	_ =	sdelay $0x1  }
0x68: {  	v4 =	vcvt.s32.f32 v56;
	_ =	sdelay $0x1  }
0x69: {  	[tilespmem:v2+s15+$0x0] =	vst.idx.add.f32.msk vm1, v4  }
0x6a: {  	[tilespmem:v2+s16+$0x0] =	vst.idx.add.f32.msk vm1, v3  }
0x6b: {  	v2 =	vld [tilespmem:s21+$0x20];
	_ =	sdelay $0x4  }
0x6c: {  	(xrf1) =	vunique.msk.u32 $0xffff, v2;
	_ =	sdelay $0x7  }
0x6d: {  	v3 =	vld [tilespmem:s21+$0x27A0];
	_ =	sdelay $0x5  }
0x6e: {  	_, v57, vm2 =	vpop (xrf1);
	_ =	sdelay $0x1  }
0x6f: {  	v3 =	vld.idx.msk [tilespmem:v3+s12+$0x0], $0xffff;
	_ =	sdelay $0x1  }
0x70: {  	v4 =	vcvt.s32.f32 v57;
	_ =	sdelay $0x1  }
0x71: {  	[tilespmem:v2+s15+$0x0] =	vst.idx.add.f32.msk vm2, v4  }
0x72: {  	[tilespmem:v2+s16+$0x0] =	vst.idx.add.f32.msk vm2, v3  }
0x73: {  	v2 =	vld [tilespmem:s21+$0x30];
	_ =	sdelay $0x4  }
0x74: {  	(xrf1) =	vunique.msk.u32 $0xffff, v2;
	_ =	sdelay $0x7  }
0x75: {  	v3 =	vld [tilespmem:s21+$0x27B0];
	_ =	sdelay $0x5  }
0x76: {  	_, v58, vm3 =	vpop (xrf1);
	_ =	sdelay $0x1  }
0x77: {  	v3 =	vld.idx.msk [tilespmem:v3+s12+$0x0], $0xffff;
	_ =	sdelay $0x1  }
0x78: {  	v4 =	vcvt.s32.f32 v58;
	_ =	sdelay $0x1  }
0x79: {  	[tilespmem:v2+s15+$0x0] =	vst.idx.add.f32.msk vm3, v4  }
0x7a: {  	[tilespmem:v2+s16+$0x0] =	vst.idx.add.f32.msk vm3, v3  }
0x7b: {  	v2 =	vld [tilespmem:s21+$0x40];
	_ =	sdelay $0x4  }
0x7c: {  	(xrf1) =	vunique.msk.u32 $0xffff, v2;
	_ =	sdelay $0x7  }
0x7d: {  	v3 =	vld [tilespmem:s21+$0x27C0];
	_ =	sdelay $0x5  }
0x7e: {  	_, v59, vm4 =	vpop (xrf1);
	_ =	sdelay $0x1  }
0x7f: {  	v3 =	vld.idx.msk [tilespmem:v3+s12+$0x0], $0xffff;
	_ =	sdelay $0x1  }
0x80: {  	v4 =	vcvt.s32.f32 v59;
	_ =	sdelay $0x1  }
0x81: {  	[tilespmem:v2+s15+$0x0] =	vst.idx.add.f32.msk vm4, v4  }
0x82: {  	[tilespmem:v2+s16+$0x0] =	vst.idx.add.f32.msk vm4, v3  }
0x83: {  	v2 =	vld [tilespmem:s21+$0x50];
	_ =	sdelay $0x4  }
0x84: {  	(xrf1) =	vunique.msk.u32 $0xffff, v2;
	_ =	sdelay $0x7  }
0x85: {  	v3 =	vld [tilespmem:s21+$0x27D0];
	_ =	sdelay $0x5  }
0x86: {  	_, v60, vm5 =	vpop (xrf1);
	_ =	sdelay $0x1  }
0x87: {  	v3 =	vld.idx.msk [tilespmem:v3+s12+$0x0], $0xffff;
	_ =	sdelay $0x1  }
0x88: {  	v4 =	vcvt.s32.f32 v60;
	_ =	sdelay $0x1  }
0x89: {  	[tilespmem:v2+s15+$0x0] =	vst.idx.add.f32.msk vm5, v4  }
0x8a: {  	[tilespmem:v2+s16+$0x0] =	vst.idx.add.f32.msk vm5, v3  }
0x8b: {  	v2 =	vld [tilespmem:s21+$0x60];
	_ =	sdelay $0x4  }
0x8c: {  	(xrf1) =	vunique.msk.u32 $0xffff, v2;
	_ =	sdelay $0x7  }
0x8d: {  	v3 =	vld [tilespmem:s21+$0x27E0];
	_ =	sdelay $0x5  }
0x8e: {  	_, v61, vm6 =	vpop (xrf1);
	_ =	sdelay $0x1  }
0x8f: {  	v3 =	vld.idx.msk [tilespmem:v3+s12+$0x0], $0xffff;
	_ =	sdelay $0x1  }
0x90: {  	v4 =	vcvt.s32.f32 v61;
	_ =	sdelay $0x1  }
0x91: {  	[tilespmem:v2+s15+$0x0] =	vst.idx.add.f32.msk vm6, v4  }
0x92: {  	[tilespmem:v2+s16+$0x0] =	vst.idx.add.f32.msk vm6, v3  }
0x93: {  	v2 =	vld [tilespmem:s21+$0x70];
	_ =	sdelay $0x4  }
0x94: {  	(xrf1) =	vunique.msk.u32 $0xffff, v2;
	_ =	sdelay $0x8  }
0x95: {  	vm0 =	vmand vm0, vm1  }
0x96: {  	vm0 =	vmand vm0, vm2  }
0x97: {  	vm0 =	vmand vm0, vm3  }
0x98: {  	vm0 =	vmand vm0, vm4  }
0x99: {  	vm0 =	vmand vm0, vm5  }
0x9a: {  	vm0 =	vmand vm0, vm6;
	_, v3, vm15 =	vpop (xrf1)  }
0x9b: {  	vm0 =	vmand vm0, vm15  }
0x9c: {  	v62 =	vsel vm0, $0x0, v1  }
0x9d: {  	(xrf0) =	vmax.scan.msk.f32 $0xffff, v62;
	_ =	sdelay $0x5  }
0x9e: {  	v4, _, _ =	vpop (xrf0)  }
0x9f: {  	(v2sf) =	vpush v4, $0xF;
	_ =	sdelay $0x7  }
0xa0: {  	v63 =	vld [tilespmem:s21+$0x27F0];
	_ =	sdelay $0x6  }
0xa1: {  	s22 =	spop (v2sf)  }
0xa2: {  	v4 =	vld.idx.msk [tilespmem:v63+s12+$0x0], $0xffff;
	p0 =	sgt.f32 s22, $0.0e+00  }
.Ltmp5:
0xa3: {  	_ = 	snop;
	(pc) =	sbr.rel @!p0 .LBB2_29-.Ltmp5, $3  }
0xa4: {  	v3 =	vcvt.s32.f32 v3;
	_ =	sdelay $0x1  }
0xa5: {  	[tilespmem:v2+s15+$0x0] =	vst.idx.add.f32.msk vm15, v3  }
0xa6: {  	[tilespmem:v2+s16+$0x0] =	vst.idx.add.f32.msk vm15, v4  }
0xa7: {  	v2 =	vld [tilespmem:s21+$0x0];
	_ =	sdelay $0x4  }
0xa8: {  	(xrf1) =	vunique.msk.u32 $0xffff, v2;
	_ =	sdelay $0xd  }
0xa9: {  	_, v3, vm0 =	vpop (xrf1)  }
0xaa: {  	v3 =	vsel vm0, $0x0, v1  }
0xab: {  	(xrf0) =	vmax.scan.msk.f32 $0xffff, v3;
	_ =	sdelay $0x5  }
0xac: {  	v3, _, _ =	vpop (xrf0)  }
0xad: {  	(v2sf) =	vpush v3, $0xF;
	_ =	sdelay $0xc  }
0xae: {  	v3 =	vld [tilespmem:s21+$0x2780];
	_ =	sdelay $0x1  }
0xaf: {  	s22 =	spop (v2sf)  }
0xb0: {  	p0 =	sgt.f32 s22, $0.0e+00  }
.Ltmp6:
0xb1: {  	_ = 	snop;
	(pc) =	sbr.rel @!p0 .LBB2_8-.Ltmp6, $2  }
0xb2: {  	_ =	sdelay $0x2  }
0xb3: {  	v3 =	vld.idx.msk [tilespmem:v3+s12+$0x0], $0xffff  }
0xb4: {  	vm0 =	vmneg vm0  }
.LBB2_7:
0xb5: {  	(xrf1) =	vunique.msk.u32 vm0, v2;
	_ =	sdelay $0xd  }
0xb6: {  	_, v4, vm1 =	vpop (xrf1)  }
0xb7: {  	vm2 =	vmneg vm1  }
0xb8: {  	vm0 =	vmand vm0, vm2  }
0xb9: {  	v4 =	vsel vm0, $0x3F800000, v0  }
0xba: {  	(xrf0) =	vmax.scan.msk.f32 $0xffff, v4;
	_ =	sdelay $0x5  }
0xbb: {  	v4, _, _ =	vpop (xrf0)  }
0xbc: {  	(v2sf) =	vpush v4, $0xF;
	_ =	sdelay $0xe  }
0xbd: {  	s22 =	spop (v2sf)  }
0xbe: {  	p0 =	sgt.f32 s22, $0.0e+00  }
.Ltmp7:
0xbf: {  	_ = 	snop;
	(pc) =	sbr.rel @p0 .LBB2_7-.Ltmp7, $2  }
0xc0: {  	_ =	sdelay $0x2  }
0xc1: {  	[tilespmem:v2+s16+$0x0] =	vst.idx.add.f32.msk vm1, v3  }
.LBB2_8:
0xc2: {  	s22 =	sor.u32 $0x10, s21  }
0xc3: {  	v2 =	vld [tilespmem:s22+$0x0];
	_ =	sdelay $0x4  }
0xc4: {  	(xrf1) =	vunique.msk.u32 $0xffff, v2;
	_ =	sdelay $0xd  }
0xc5: {  	_, v3, vm0 =	vpop (xrf1)  }
0xc6: {  	v3 =	vsel vm0, $0x0, v1  }
0xc7: {  	(xrf0) =	vmax.scan.msk.f32 $0xffff, v3;
	_ =	sdelay $0x5  }
0xc8: {  	v3, _, _ =	vpop (xrf0)  }
0xc9: {  	(v2sf) =	vpush v3, $0xF;
	_ =	sdelay $0xc  }
0xca: {  	v3 =	vld [tilespmem:s22+$0x2780];
	_ =	sdelay $0x1  }
0xcb: {  	s31 =	spop (v2sf)  }
0xcc: {  	p0 =	sgt.f32 s31, $0.0e+00  }
.Ltmp8:
0xcd: {  	_ = 	snop;
	(pc) =	sbr.rel @!p0 .LBB2_11-.Ltmp8, $2  }
0xce: {  	_ =	sdelay $0x2  }
0xcf: {  	v3 =	vld.idx.msk [tilespmem:v3+s12+$0x0], $0xffff  }
0xd0: {  	vm0 =	vmneg vm0  }
.LBB2_10:
0xd1: {  	(xrf1) =	vunique.msk.u32 vm0, v2;
	_ =	sdelay $0xd  }
0xd2: {  	_, v4, vm1 =	vpop (xrf1)  }
0xd3: {  	vm2 =	vmneg vm1  }
0xd4: {  	vm0 =	vmand vm0, vm2  }
0xd5: {  	v4 =	vsel vm0, $0x3F800000, v0  }
0xd6: {  	(xrf0) =	vmax.scan.msk.f32 $0xffff, v4;
	_ =	sdelay $0x5  }
0xd7: {  	v4, _, _ =	vpop (xrf0)  }
0xd8: {  	(v2sf) =	vpush v4, $0xF;
	_ =	sdelay $0xe  }
0xd9: {  	s22 =	spop (v2sf)  }
0xda: {  	p0 =	sgt.f32 s22, $0.0e+00  }
.Ltmp9:
0xdb: {  	_ = 	snop;
	(pc) =	sbr.rel @p0 .LBB2_10-.Ltmp9, $2  }
0xdc: {  	_ =	sdelay $0x2  }
0xdd: {  	[tilespmem:v2+s16+$0x0] =	vst.idx.add.f32.msk vm1, v3  }
.LBB2_11:
0xde: {  	s22 =	sor.u32 $0x20, s21  }
0xdf: {  	v2 =	vld [tilespmem:s22+$0x0];
	_ =	sdelay $0x4  }
0xe0: {  	(xrf1) =	vunique.msk.u32 $0xffff, v2;
	_ =	sdelay $0xd  }
0xe1: {  	_, v3, vm0 =	vpop (xrf1)  }
0xe2: {  	v3 =	vsel vm0, $0x0, v1  }
0xe3: {  	(xrf0) =	vmax.scan.msk.f32 $0xffff, v3;
	_ =	sdelay $0x5  }
0xe4: {  	v3, _, _ =	vpop (xrf0)  }
0xe5: {  	(v2sf) =	vpush v3, $0xF;
	_ =	sdelay $0xc  }
0xe6: {  	v3 =	vld [tilespmem:s22+$0x2780];
	_ =	sdelay $0x1  }
0xe7: {  	s31 =	spop (v2sf)  }
0xe8: {  	p0 =	sgt.f32 s31, $0.0e+00  }
.Ltmp10:
0xe9: {  	_ = 	snop;
	(pc) =	sbr.rel @!p0 .LBB2_14-.Ltmp10, $2  }
0xea: {  	_ =	sdelay $0x2  }
0xeb: {  	v3 =	vld.idx.msk [tilespmem:v3+s12+$0x0], $0xffff  }
0xec: {  	vm0 =	vmneg vm0  }
.LBB2_13:
0xed: {  	(xrf1) =	vunique.msk.u32 vm0, v2;
	_ =	sdelay $0xd  }
0xee: {  	_, v4, vm1 =	vpop (xrf1)  }
0xef: {  	vm2 =	vmneg vm1  }
0xf0: {  	vm0 =	vmand vm0, vm2  }
0xf1: {  	v4 =	vsel vm0, $0x3F800000, v0  }
0xf2: {  	(xrf0) =	vmax.scan.msk.f32 $0xffff, v4;
	_ =	sdelay $0x5  }
0xf3: {  	v4, _, _ =	vpop (xrf0)  }
0xf4: {  	(v2sf) =	vpush v4, $0xF;
	_ =	sdelay $0xe  }
0xf5: {  	s22 =	spop (v2sf)  }
0xf6: {  	p0 =	sgt.f32 s22, $0.0e+00  }
.Ltmp11:
0xf7: {  	_ = 	snop;
	(pc) =	sbr.rel @p0 .LBB2_13-.Ltmp11, $2  }
0xf8: {  	_ =	sdelay $0x2  }
0xf9: {  	[tilespmem:v2+s16+$0x0] =	vst.idx.add.f32.msk vm1, v3  }
.LBB2_14:
0xfa: {  	s22 =	sor.u32 $0x30, s21  }
0xfb: {  	v2 =	vld [tilespmem:s22+$0x0];
	_ =	sdelay $0x4  }
0xfc: {  	(xrf1) =	vunique.msk.u32 $0xffff, v2;
	_ =	sdelay $0xd  }
0xfd: {  	_, v3, vm0 =	vpop (xrf1)  }
0xfe: {  	v3 =	vsel vm0, $0x0, v1  }
0xff: {  	(xrf0) =	vmax.scan.msk.f32 $0xffff, v3;
	_ =	sdelay $0x5  }
0x100: {  	v3, _, _ =	vpop (xrf0)  }
0x101: {  	(v2sf) =	vpush v3, $0xF;
	_ =	sdelay $0xc  }
0x102: {  	v3 =	vld [tilespmem:s22+$0x2780];
	_ =	sdelay $0x1  }
0x103: {  	s31 =	spop (v2sf)  }
0x104: {  	p0 =	sgt.f32 s31, $0.0e+00  }
.Ltmp12:
0x105: {  	_ = 	snop;
	(pc) =	sbr.rel @!p0 .LBB2_17-.Ltmp12, $2  }
0x106: {  	_ =	sdelay $0x2  }
0x107: {  	v3 =	vld.idx.msk [tilespmem:v3+s12+$0x0], $0xffff  }
0x108: {  	vm0 =	vmneg vm0  }
.LBB2_16:
0x109: {  	(xrf1) =	vunique.msk.u32 vm0, v2;
	_ =	sdelay $0xd  }
0x10a: {  	_, v4, vm1 =	vpop (xrf1)  }
0x10b: {  	vm2 =	vmneg vm1  }
0x10c: {  	vm0 =	vmand vm0, vm2  }
0x10d: {  	v4 =	vsel vm0, $0x3F800000, v0  }
0x10e: {  	(xrf0) =	vmax.scan.msk.f32 $0xffff, v4;
	_ =	sdelay $0x5  }
0x10f: {  	v4, _, _ =	vpop (xrf0)  }
0x110: {  	(v2sf) =	vpush v4, $0xF;
	_ =	sdelay $0xe  }
0x111: {  	s22 =	spop (v2sf)  }
0x112: {  	p0 =	sgt.f32 s22, $0.0e+00  }
.Ltmp13:
0x113: {  	_ = 	snop;
	(pc) =	sbr.rel @p0 .LBB2_16-.Ltmp13, $2  }
0x114: {  	_ =	sdelay $0x2  }
0x115: {  	[tilespmem:v2+s16+$0x0] =	vst.idx.add.f32.msk vm1, v3  }
.LBB2_17:
0x116: {  	s22 =	sor.u32 $0x40, s21  }
0x117: {  	v2 =	vld [tilespmem:s22+$0x0];
	_ =	sdelay $0x4  }
0x118: {  	(xrf1) =	vunique.msk.u32 $0xffff, v2;
	_ =	sdelay $0xd  }
0x119: {  	_, v3, vm0 =	vpop (xrf1)  }
0x11a: {  	v3 =	vsel vm0, $0x0, v1  }
0x11b: {  	(xrf0) =	vmax.scan.msk.f32 $0xffff, v3;
	_ =	sdelay $0x5  }
0x11c: {  	v3, _, _ =	vpop (xrf0)  }
0x11d: {  	(v2sf) =	vpush v3, $0xF;
	_ =	sdelay $0xc  }
0x11e: {  	v3 =	vld [tilespmem:s22+$0x2780];
	_ =	sdelay $0x1  }
0x11f: {  	s31 =	spop (v2sf)  }
0x120: {  	p0 =	sgt.f32 s31, $0.0e+00  }
.Ltmp14:
0x121: {  	_ = 	snop;
	(pc) =	sbr.rel @!p0 .LBB2_20-.Ltmp14, $2  }
0x122: {  	_ =	sdelay $0x2  }
0x123: {  	v3 =	vld.idx.msk [tilespmem:v3+s12+$0x0], $0xffff  }
0x124: {  	vm0 =	vmneg vm0  }
.LBB2_19:
0x125: {  	(xrf1) =	vunique.msk.u32 vm0, v2;
	_ =	sdelay $0xd  }
0x126: {  	_, v4, vm1 =	vpop (xrf1)  }
0x127: {  	vm2 =	vmneg vm1  }
0x128: {  	vm0 =	vmand vm0, vm2  }
0x129: {  	v4 =	vsel vm0, $0x3F800000, v0  }
0x12a: {  	(xrf0) =	vmax.scan.msk.f32 $0xffff, v4;
	_ =	sdelay $0x5  }
0x12b: {  	v4, _, _ =	vpop (xrf0)  }
0x12c: {  	(v2sf) =	vpush v4, $0xF;
	_ =	sdelay $0xe  }
0x12d: {  	s22 =	spop (v2sf)  }
0x12e: {  	p0 =	sgt.f32 s22, $0.0e+00  }
.Ltmp15:
0x12f: {  	_ = 	snop;
	(pc) =	sbr.rel @p0 .LBB2_19-.Ltmp15, $2  }
0x130: {  	_ =	sdelay $0x2  }
0x131: {  	[tilespmem:v2+s16+$0x0] =	vst.idx.add.f32.msk vm1, v3  }
.LBB2_20:
0x132: {  	s22 =	sor.u32 $0x50, s21  }
0x133: {  	v2 =	vld [tilespmem:s22+$0x0];
	_ =	sdelay $0x4  }
0x134: {  	(xrf1) =	vunique.msk.u32 $0xffff, v2;
	_ =	sdelay $0xd  }
0x135: {  	_, v3, vm0 =	vpop (xrf1)  }
0x136: {  	v3 =	vsel vm0, $0x0, v1  }
0x137: {  	(xrf0) =	vmax.scan.msk.f32 $0xffff, v3;
	_ =	sdelay $0x5  }
0x138: {  	v3, _, _ =	vpop (xrf0)  }
0x139: {  	(v2sf) =	vpush v3, $0xF;
	_ =	sdelay $0xc  }
0x13a: {  	v3 =	vld [tilespmem:s22+$0x2780];
	_ =	sdelay $0x1  }
0x13b: {  	s31 =	spop (v2sf)  }
0x13c: {  	p0 =	sgt.f32 s31, $0.0e+00  }
.Ltmp16:
0x13d: {  	_ = 	snop;
	(pc) =	sbr.rel @!p0 .LBB2_23-.Ltmp16, $2  }
0x13e: {  	_ =	sdelay $0x2  }
0x13f: {  	v3 =	vld.idx.msk [tilespmem:v3+s12+$0x0], $0xffff  }
0x140: {  	vm0 =	vmneg vm0  }
.LBB2_22:
0x141: {  	(xrf1) =	vunique.msk.u32 vm0, v2;
	_ =	sdelay $0xd  }
0x142: {  	_, v4, vm1 =	vpop (xrf1)  }
0x143: {  	vm2 =	vmneg vm1  }
0x144: {  	vm0 =	vmand vm0, vm2  }
0x145: {  	v4 =	vsel vm0, $0x3F800000, v0  }
0x146: {  	(xrf0) =	vmax.scan.msk.f32 $0xffff, v4;
	_ =	sdelay $0x5  }
0x147: {  	v4, _, _ =	vpop (xrf0)  }
0x148: {  	(v2sf) =	vpush v4, $0xF;
	_ =	sdelay $0xe  }
0x149: {  	s22 =	spop (v2sf)  }
0x14a: {  	p0 =	sgt.f32 s22, $0.0e+00  }
.Ltmp17:
0x14b: {  	_ = 	snop;
	(pc) =	sbr.rel @p0 .LBB2_22-.Ltmp17, $2  }
0x14c: {  	_ =	sdelay $0x2  }
0x14d: {  	[tilespmem:v2+s16+$0x0] =	vst.idx.add.f32.msk vm1, v3  }
.LBB2_23:
0x14e: {  	s22 =	sor.u32 $0x60, s21  }
0x14f: {  	v2 =	vld [tilespmem:s22+$0x0];
	_ =	sdelay $0x4  }
0x150: {  	(xrf1) =	vunique.msk.u32 $0xffff, v2;
	_ =	sdelay $0xd  }
0x151: {  	_, v3, vm0 =	vpop (xrf1)  }
0x152: {  	v3 =	vsel vm0, $0x0, v1  }
0x153: {  	(xrf0) =	vmax.scan.msk.f32 $0xffff, v3;
	_ =	sdelay $0x5  }
0x154: {  	v3, _, _ =	vpop (xrf0)  }
0x155: {  	(v2sf) =	vpush v3, $0xF;
	_ =	sdelay $0xc  }
0x156: {  	v3 =	vld [tilespmem:s22+$0x2780];
	_ =	sdelay $0x1  }
0x157: {  	s31 =	spop (v2sf)  }
0x158: {  	p0 =	sgt.f32 s31, $0.0e+00  }
.Ltmp18:
0x159: {  	_ = 	snop;
	(pc) =	sbr.rel @!p0 .LBB2_26-.Ltmp18, $2  }
0x15a: {  	_ =	sdelay $0x2  }
0x15b: {  	v3 =	vld.idx.msk [tilespmem:v3+s12+$0x0], $0xffff  }
0x15c: {  	vm0 =	vmneg vm0  }
.LBB2_25:
0x15d: {  	(xrf1) =	vunique.msk.u32 vm0, v2;
	_ =	sdelay $0xd  }
0x15e: {  	_, v4, vm1 =	vpop (xrf1)  }
0x15f: {  	vm2 =	vmneg vm1  }
0x160: {  	vm0 =	vmand vm0, vm2  }
0x161: {  	v4 =	vsel vm0, $0x3F800000, v0  }
0x162: {  	(xrf0) =	vmax.scan.msk.f32 $0xffff, v4;
	_ =	sdelay $0x5  }
0x163: {  	v4, _, _ =	vpop (xrf0)  }
0x164: {  	(v2sf) =	vpush v4, $0xF;
	_ =	sdelay $0xe  }
0x165: {  	s22 =	spop (v2sf)  }
0x166: {  	p0 =	sgt.f32 s22, $0.0e+00  }
.Ltmp19:
0x167: {  	_ = 	snop;
	(pc) =	sbr.rel @p0 .LBB2_25-.Ltmp19, $2  }
0x168: {  	_ =	sdelay $0x2  }
0x169: {  	[tilespmem:v2+s16+$0x0] =	vst.idx.add.f32.msk vm1, v3  }
.LBB2_26:
0x16a: {  	s21 =	sor.u32 $0x70, s21  }
0x16b: {  	v2 =	vld [tilespmem:s21+$0x0];
	_ =	sdelay $0x4  }
0x16c: {  	(xrf1) =	vunique.msk.u32 $0xffff, v2;
	_ =	sdelay $0xd  }
0x16d: {  	_, v3, vm0 =	vpop (xrf1)  }
0x16e: {  	v3 =	vsel vm0, $0x0, v1  }
0x16f: {  	(xrf0) =	vmax.scan.msk.f32 $0xffff, v3;
	_ =	sdelay $0x5  }
0x170: {  	v3, _, _ =	vpop (xrf0)  }
0x171: {  	(v2sf) =	vpush v3, $0xF;
	_ =	sdelay $0xc  }
0x172: {  	v3 =	vld [tilespmem:s21+$0x2780];
	_ =	sdelay $0x1  }
0x173: {  	s31 =	spop (v2sf)  }
0x174: {  	p0 =	sgt.f32 s31, $0.0e+00  }
.Ltmp20:
0x175: {  	_ = 	snop;
	(pc) =	sbr.rel @!p0 .LBB2_29-.Ltmp20, $2  }
0x176: {  	_ =	sdelay $0x2  }
0x177: {  	v3 =	vld.idx.msk [tilespmem:v3+s12+$0x0], $0xffff  }
0x178: {  	vm0 =	vmneg vm0  }
.LBB2_28:
0x179: {  	(xrf1) =	vunique.msk.u32 vm0, v2;
	_ =	sdelay $0xd  }
0x17a: {  	_, v4, vm1 =	vpop (xrf1)  }
0x17b: {  	vm2 =	vmneg vm1  }
0x17c: {  	vm0 =	vmand vm0, vm2  }
0x17d: {  	v4 =	vsel vm0, $0x3F800000, v0  }
0x17e: {  	(xrf0) =	vmax.scan.msk.f32 $0xffff, v4;
	_ =	sdelay $0x5  }
0x17f: {  	v4, _, _ =	vpop (xrf0)  }
0x180: {  	(v2sf) =	vpush v4, $0xF;
	_ =	sdelay $0xe  }
0x181: {  	s21 =	spop (v2sf)  }
0x182: {  	p0 =	sgt.f32 s21, $0.0e+00  }
.Ltmp21:
0x183: {  	_ = 	snop;
	(pc) =	sbr.rel @p0 .LBB2_28-.Ltmp21, $2  }
0x184: {  	_ =	sdelay $0x2  }
0x185: {  	[tilespmem:v2+s16+$0x0] =	vst.idx.add.f32.msk vm1, v3  }
.Ltmp22:
0x186: {  	_ = 	snop;
	(pc) =	sbr.rel .LBB2_29-.Ltmp22, $1  }
0x187: {  	_ =	sdelay $0x3  }
.LBB2_30:
0x188: {  	v2 =	vld [tilespmem:$0x2700];
	_ =	sdelay $0x4  }
0x189: {  	(xrf1) =	vunique.msk.u32 $0xffff, v2;
	_ =	sdelay $0xd  }
0x18a: {  	_, v3, vm0 =	vpop (xrf1)  }
0x18b: {  	v4 =	vsel vm0, $0x0, v1  }
0x18c: {  	(xrf0) =	vmax.scan.msk.f32 $0xffff, v4;
	_ =	sdelay $0x5  }
0x18d: {  	v4, _, _ =	vpop (xrf0)  }
0x18e: {  	(v2sf) =	vpush v4, $0xF;
	_ =	sdelay $0x3  }
0x18f: {  	v4 =	vld [tilespmem:$0x4E80];
	_ =	sdelay $0x7  }
0x190: {  	v4 =	vld.idx.msk [tilespmem:v4+s12+$0x0], $0xffff;
	_ =	sdelay $0x1  }
0x191: {  	v3 =	vcvt.s32.f32 v3  }
0x192: {  	s20 =	spop (v2sf)  }
0x193: {  	[tilespmem:v2+s15+$0x0] =	vst.idx.add.f32.msk vm0, v3;
	p0 =	sgt.f32 s20, $0.0e+00  }
0x194: {  	[tilespmem:v2+s16+$0x0] =	vst.idx.add.f32.msk vm0, v4  }
0x195: {  	v2 =	vld @p0 [tilespmem:$0x2700];
	_ =	sdelay $0x4  }
0x196: {  	(xrf1) =	vunique.msk.u32 @p0 $0xffff, v2;
	_ =	sdelay $0xd  }
0x197: {  	_, v3, vm0 =	vpop @p0 (xrf1)  }
0x198: {  	v3 =	vimm.f32 @p0 $1.000000000e+00  }
0x199: {  	v3 =	vsel @p0 vm0, $0x0, v3  }
0x19a: {  	(xrf0) =	vmax.scan.msk.f32 @p0 $0xffff, v3;
	_ =	sdelay $0x5  }
0x19b: {  	v3, _, _ =	vpop @p0 (xrf0)  }
0x19c: {  	(v2sf) =	vpush @p0 v3, $0xF;
	_ =	sdelay $0xe  }
0x19d: {  	v3 =	vld @p0 [tilespmem:$0x4E80];
	s20 =	spop @p0 (v2sf)  }
0x19e: {  	p1 =	sgt.f32 @p0 s20, $0.0e+00;
	_ =	sdelay $0x1  }
0x19f: {  	p1 =	por !p0, !p1  }
.Ltmp23:
0x1a0: {  	_ = 	snop;
	(pc) =	sbr.rel @p1 .LBB2_33-.Ltmp23, $3  }
0x1a1: {  	_ =	sdelay $0x1  }
0x1a2: {  	s20 =	simm.s32 @p0 $0x4F00  }
0x1a3: {  	v3 =	vld.idx.msk @p0 [tilespmem:v3+s20+$0x0], $0xffff  }
0x1a4: {  	vm0 =	vmneg vm0  }
.LBB2_32:
0x1a5: {  	(xrf1) =	vunique.msk.u32 vm0, v2;
	_ =	sdelay $0xd  }
0x1a6: {  	_, v4, vm1 =	vpop (xrf1)  }
0x1a7: {  	vm2 =	vmneg vm1  }
0x1a8: {  	vm0 =	vmand vm0, vm2  }
0x1a9: {  	v4 =	vsel vm0, $0x3F800000, v0  }
0x1aa: {  	(xrf0) =	vmax.scan.msk.f32 $0xffff, v4;
	_ =	sdelay $0x5  }
0x1ab: {  	v4, _, _ =	vpop (xrf0)  }
0x1ac: {  	(v2sf) =	vpush v4, $0xF;
	_ =	sdelay $0xe  }
0x1ad: {  	s20 =	spop (v2sf)  }
0x1ae: {  	p0 =	sgt.f32 s20, $0.0e+00  }
.Ltmp24:
0x1af: {  	_ = 	snop;
	(pc) =	sbr.rel @p0 .LBB2_32-.Ltmp24, $2  }
0x1b0: {  	_ =	sdelay $0x2  }
0x1b1: {  	[tilespmem:v2+s16+$0x0] =	vst.idx.add.f32.msk vm1, v3  }
.Ltmp25:
0x1b2: {  	_ = 	snop;
	(pc) =	sbr.rel .LBB2_33-.Ltmp25, $1  }
0x1b3: {  	_ =	sdelay $0x3  }
.LBB2_34:
0x1b4: {  	_ =	sfence.sel $0x180000  }
0x1b5: {  	[bflag:$0x0] =	sbarrier.arrive $0xFFFF  }
0x1b6: {  	p0 =	sne.s32 s0, $0x0;
	_ =	strace $0x90000047  }
0x1b7: {  	s0 =	sadd.s32 @!p0 $0x100000, s1;
	[bflag:$0x2] =	sbarrier.arrive $0xFFFF  }
0x1b8: {  	[sflag:s0] =	ssyncadd.tile.s32 @!p0 $0x1;
	_ =	shalt  }
.Lfunc_end2:
_tile_overlayer_lowered:
.L_overlay_start_2:
0x1b9: {  	(tag) =	ssettag $0x2  }
0x1ba: {  	s0 =	rddreg [dreg:$0x0];
	s2 =	stileid.u32  }
0x1bb: {  	s1 =	rddreg [dreg:$0x1];
	p0 =	sne.s32 s2, $0x0  }
0x1bc: {  	s3 =	rddreg [dreg:$0x2];
	[bflag:$0x3] =	sbarrier.arrive $0xFFFF;
	s2 =	simm.s32 @!p0 $0x1C02  }
0x1bd: {  	[timem:s3], [sflag:s2] =	dma.local @!p0 [hbm:s0], s1  }
0x1be: {  	s0 =	simm.s32 @!p0 $0x2  }
0x1bf: {  	_ =	swait.ge @!p0 [sflag:s0], s1  }
0x1c0: {  	s1 =	ssub.s32 @!p0 $0x0, s1;
	[sflag:s0] =	ssyncset.done @!p0 $0x0  }
0x1c1: {  	[sflag:s0] =	ssyncadd.s32 @!p0 s1  }
0x1c2: {  	[bflag:$0x3] =	sbarrier.arrive $0xFFFF  }
0x1c3: {  	_ =	shalt  }

</sc_bundles>
